<compile_context>
chip_gen: v7x
topology: tpu7x:2x2x1
jax: 0.10.2.dev20260603
libtpu: 0.0.44.dev20260713+nightly
codegen_flags: <defaults>
</compile_context>

<pallas_src>
import functools

import jax
import jax.numpy as jnp
from jax import lax
from jax.experimental import pallas as pl
from jax.experimental.pallas import tpu as pltpu
from jax.experimental.pallas import tpu_sc as plsc

NC = 2
NS = 16
NW = NC * NS
EK = 80
STG = 42
ZR = 32


def _sc_partial_sums(x2d, src4, dst4, n_pad):
    N, D = x2d.shape
    _, n_stages, stg, _ = src4.shape
    chunks = n_stages * stg
    rows_per_tile = n_pad // NS
    assert rows_per_tile % ZR == 0 and stg % 2 == 0

    mesh = plsc.VectorSubcoreMesh(
        core_axis_name="c", subcore_axis_name="s",
        num_cores=NC, num_subcores=NS)

    @functools.partial(
        pl.kernel,
        mesh=mesh,
        out_type=jax.ShapeDtypeStruct((NC, n_pad, D), jnp.float32),
        scratch_types=[
            pltpu.VMEM((stg, EK), jnp.int32),
            pltpu.VMEM((stg, EK), jnp.int32),
            pltpu.VMEM((EK, D), jnp.float32),
            pltpu.VMEM((EK, D), jnp.float32),
            pltpu.VMEM((ZR, D), jnp.float32),
            pltpu.VMEM_SHARED((n_pad, D), jnp.float32),
            pltpu.SemaphoreType.DMA,
            pltpu.SemaphoreType.DMA,
        ],
    )
    def k(x_hbm, src_hbm, dst_hbm, out_hbm,
          src_v, dst_v, rows_a, rows_b, zbuf, acc, sem_a, sem_b):
        c = lax.axis_index("c")
        s = lax.axis_index("s")
        wid = c * NS + s

        zero16 = jnp.zeros((16,), jnp.float32)

        @pl.loop(0, ZR)
        def _zero_row(i):
            for cc in range(D // 16):
                zbuf[i, pl.ds(cc * 16, 16)] = zero16

        row0 = s * rows_per_tile
        for z in range(rows_per_tile // ZR):
            pltpu.async_copy(zbuf, acc.at[pl.ds(row0 + z * ZR, ZR)], sem_a)
        for z in range(rows_per_tile // ZR):
            pltpu.make_async_copy(zbuf, acc.at[pl.ds(row0 + z * ZR, ZR)],
                                  sem_a).wait()
        plsc.subcore_barrier()

        @pl.loop(0, chunks // stg)
        def _stage(t):
            pltpu.sync_copy(src_hbm.at[wid, t], src_v)
            pltpu.sync_copy(dst_hbm.at[wid, t], dst_v)
            pltpu.async_copy(x_hbm.at[src_v.at[0]], rows_a, sem_a)

            @pl.loop(0, (stg - 2) // 2)
            def _pair(p):
                j = p * 2
                pltpu.async_copy(x_hbm.at[src_v.at[j + 1]], rows_b, sem_b)
                pltpu.make_async_copy(x_hbm.at[src_v.at[j]], rows_a,
                                      sem_a).wait()
                pltpu.sync_copy(rows_a, acc.at[dst_v.at[j]], add=True)
                pltpu.async_copy(x_hbm.at[src_v.at[j + 2]], rows_a, sem_a)
                pltpu.make_async_copy(x_hbm.at[src_v.at[j + 1]], rows_b,
                                      sem_b).wait()
                pltpu.sync_copy(rows_b, acc.at[dst_v.at[j + 1]], add=True)

            pltpu.async_copy(x_hbm.at[src_v.at[stg - 1]], rows_b, sem_b)
            pltpu.make_async_copy(x_hbm.at[src_v.at[stg - 2]], rows_a,
                                  sem_a).wait()
            pltpu.sync_copy(rows_a, acc.at[dst_v.at[stg - 2]], add=True)
            pltpu.make_async_copy(x_hbm.at[src_v.at[stg - 1]], rows_b,
                                  sem_b).wait()
            pltpu.sync_copy(rows_b, acc.at[dst_v.at[stg - 1]], add=True)

        plsc.subcore_barrier()
        pltpu.sync_copy(acc.at[pl.ds(row0, rows_per_tile)],
                        out_hbm.at[c, pl.ds(row0, rows_per_tile)])

    return k(x2d, src4, dst4)


def _ln(h, g, b):
    m = jnp.mean(h, axis=-1, keepdims=True)
    d = h - m
    v = jnp.mean(d * d, axis=-1, keepdims=True)
    return d * lax.rsqrt(v + 1e-5) * g + b


def _dense_body(x_ref, part_ref, deg_ref,
                g1_ref, b1g_ref, g2_ref, b2g_ref,
                w1a_ref, w1b_ref, b1_ref, w2_ref, b2_ref, out_ref):
    xb = x_ref[...]
    neigh = (part_ref[0] + part_ref[1]) * (
        1.0 / jnp.clip(deg_ref[...], 1.0, None))
    h1 = _ln(xb, g1_ref[...], b1g_ref[...])
    h2 = _ln(neigh, g2_ref[...], b2g_ref[...])
    h = (jnp.dot(h1, w1a_ref[...], preferred_element_type=jnp.float32)
         + jnp.dot(h2, w1b_ref[...], preferred_element_type=jnp.float32)
         + b1_ref[...])
    h = 0.5 * h * (1.0 + lax.erf(h * 0.7071067811865476))
    out_ref[...] = (xb + jnp.dot(h, w2_ref[...],
                                 preferred_element_type=jnp.float32)
                    + b2_ref[...])


def _full(a):
    return pl.BlockSpec(a.shape, lambda i: tuple(0 for _ in a.shape))


def _dense(x2d, part, deg_col, g1, b1g, g2, b2g, w1a, w1b, b1, w2t, b2):
    N, D = x2d.shape
    BN = 5000
    row_blk = pl.BlockSpec((BN, D), lambda i: (i, 0))
    part_blk = pl.BlockSpec((2, BN, D), lambda i: (0, i, 0))
    col_blk = pl.BlockSpec((BN, 1), lambda i: (i, 0))
    return pl.pallas_call(
        _dense_body,
        grid=(N // BN,),
        in_specs=[row_blk, part_blk, col_blk,
                  _full(g1), _full(b1g), _full(g2), _full(b2g),
                  _full(w1a), _full(w1b), _full(b1), _full(w2t), _full(b2)],
        out_specs=row_blk,
        out_shape=jax.ShapeDtypeStruct((N, D), jnp.float32),
    )(x2d, part, deg_col, g1, b1g, g2, b2g, w1a, w1b, b1, w2t, b2)


def kernel(x, edge_src, edge_dst, degree,
           ln1_g, ln1_b, ln2_g, ln2_b, W1, b1, W2, b2):
    B, N, D = x.shape
    E = edge_src.shape[0]
    x2d = x.reshape(N, D)

    n_pad = ((N + NS * 128 - 1) // (NS * 128)) * (NS * 128)

    e_tile = E // NW
    chunks = -(-e_tile // (STG * EK)) * STG
    pad = chunks * EK - e_tile
    src2 = edge_src.astype(jnp.int32).reshape(NW, e_tile)
    dst2 = edge_dst.astype(jnp.int32).reshape(NW, e_tile)
    if pad > 0:
        spare = n_pad - N
        ar = jnp.arange(NW * pad, dtype=jnp.int32)
        src2 = jnp.concatenate(
            [src2, (ar % N).reshape(NW, pad)], axis=1)
        dst2 = jnp.concatenate(
            [dst2, (N + ar % spare).reshape(NW, pad)], axis=1)
    src4 = src2.reshape(NW, chunks // STG, STG, EK)
    dst4 = dst2.reshape(NW, chunks // STG, STG, EK)

    part = _sc_partial_sums(x2d, src4, dst4, n_pad)

    deg_col = degree.reshape(N, 1)
    w1a = W1[:, :D].T
    w1b = W1[:, D:].T
    w2t = W2.T
    out2d = _dense(x2d, part, deg_col,
                   ln1_g.reshape(1, D), ln1_b.reshape(1, D),
                   ln2_g.reshape(1, D), ln2_b.reshape(1, D),
                   w1a, w1b, b1.reshape(1, 2 * D), w2t, b2.reshape(1, D))
    return out2d.reshape(B, N, D)

# --- scband reference (transcript-rebuilt; emitter-appended) ---
"""Pipeline reference for scband-mesh-graph-block-67851893342549 (READ-ONLY COPY).

The authoritative reference and input builder live on the scoring server;
editing this copy changes nothing except your own understanding.
"""

import jax, jax.numpy as jnp
import numpy as np

B, N, E, D = 1, 10000, 320000, 128

def setup_inputs(seed: int = 0) -> dict:
    key = jax.random.key(seed)
    ks = jax.random.split(key, 12)
    x = jax.random.normal(ks[0], (B, N, D), dtype=jnp.float32)
    edge_src = jax.random.randint(ks[1], (E,), 0, N, dtype=jnp.int64) if jax.config.jax_enable_x64 else jax.random.randint(ks[1], (E,), 0, N).astype(jnp.int32)
    edge_dst = jax.random.randint(ks[2], (E,), 0, N).astype(edge_src.dtype)
    degree = jax.random.uniform(ks[3], (N,), dtype=jnp.float32, minval=0.0, maxval=64.0)
    # learned params sized per init_kwargs (d_model=128)
    ln1_g = jnp.ones((D,), jnp.float32); ln1_b = jnp.zeros((D,), jnp.float32)
    ln2_g = jnp.ones((D,), jnp.float32); ln2_b = jnp.zeros((D,), jnp.float32)
    W1 = jax.random.normal(ks[4], (2 * D, 2 * D), jnp.float32) * (1.0 / np.sqrt(2 * D))
    b1 = jnp.zeros((2 * D,), jnp.float32)
    W2 = jax.random.normal(ks[5], (D, 2 * D), jnp.float32) * (1.0 / np.sqrt(2 * D))
    b2 = jnp.zeros((D,), jnp.float32)
    return {"x": x, "edge_src": edge_src, "edge_dst": edge_dst, "degree": degree,
            "ln1_g": ln1_g, "ln1_b": ln1_b, "ln2_g": ln2_g, "ln2_b": ln2_b,
            "W1": W1, "b1": b1, "W2": W2, "b2": b2}

def _layernorm(h, g, b, eps=1e-5):
    m = h.mean(axis=-1, keepdims=True)
    v = h.var(axis=-1, keepdims=True)
    return (h - m) / jnp.sqrt(v + eps) * g + b

def reference(x, edge_src, edge_dst, degree, ln1_g, ln1_b, ln2_g, ln2_b, W1, b1, W2, b2):
    # gather messages from source nodes, scatter-add onto destination nodes (index_add_ on dim 1)
    gathered = x[:, edge_src, :]
    neighbor = jnp.zeros_like(x).at[:, edge_dst, :].add(gathered)
    neighbor = neighbor / jnp.clip(degree.reshape(1, -1, 1), 1.0, None)
    h = jnp.concatenate([_layernorm(x, ln1_g, ln1_b), _layernorm(neighbor, ln2_g, ln2_b)], axis=-1)
    h = h @ W1.T + b1
    h = jax.nn.gelu(h, approximate=False)  # torch nn.GELU() exact erf variant
    h = h @ W2.T + b2
    return x + h

if __name__ == "__main__":
    import jax
    _d = setup_inputs()
    print(jax.jit(kernel)(*tuple(_d.values())))

</pallas_src>

<mosaic_0001>
#map = affine_map<(d0, d1) -> (0, 0)>
#map1 = affine_map<(d0, d1) -> (0, 0, 0, 0)>
#map2 = affine_map<(d0, d1) -> (0, 0, 0)>
module attributes {stable_mosaic.version = 14 : i64} {
  func.func @k(%arg0: i32, %arg1: i32, %arg2: memref<10000x128xf32, #tpu.memory_space<hbm>>, %arg3: memref<32x3x42x80xi32, #tpu.memory_space<hbm>>, %arg4: memref<32x3x42x80xi32, #tpu.memory_space<hbm>>, %arg5: memref<2x10240x128xf32, #tpu.memory_space<hbm>>, %arg6: memref<42x80xi32, #tpu.memory_space<vmem>>, %arg7: memref<42x80xi32, #tpu.memory_space<vmem>>, %arg8: memref<80x128xf32, #tpu.memory_space<vmem>>, %arg9: memref<80x128xf32, #tpu.memory_space<vmem>>, %arg10: memref<32x128xf32, #tpu.memory_space<vmem>>, %arg11: memref<10240x128xf32, #tpu.memory_space<vmem_shared>>, %arg12: memref<!tpu.dma_semaphore, #tpu.memory_space<semaphore_mem>>, %arg13: memref<!tpu.dma_semaphore, #tpu.memory_space<semaphore_mem>>) attributes {dimension_semantics = [#tpu.dimension_semantics<core_parallel>, #tpu.dimension_semantics<subcore_parallel>], iteration_bounds = array<i64: 2, 16>, scalar_prefetch = 0 : i64, scratch_operands = 8 : i64, tpu.core_type = #tpu.core_type<sc_vector_subcore>, window_params = [{transform_indices = #map}, {transform_indices = #map1}, {transform_indices = #map1}, {transform_indices = #map2}]} {
    %mul3A = arith.constant 16 : i32
    %mul3A_0 = arith.muli %arg0, %mul3A : i32
    %add3A = arith.addi %mul3A_0, %arg1 : i32
    %broadcast_in_dim3A = arith.constant 0.000000e+00 : f32
    %broadcast_in_dim3A_1 = vector.broadcast %broadcast_in_dim3A : f32 to vector<16xf32>
    %scan3A = arith.constant 0 : i32
    %scan3A_2 = arith.constant 32 : i32
    %scan3A_3 = arith.addi %scan3A, %scan3A_2 : i32
    %scan3A_4 = arith.constant 1 : i32
    scf.for %scan3A_252 = %scan3A to %scan3A_3 step %scan3A_4  : i32 {
      %mul3A_253 = arith.constant 1 : i32
      %mul3A_254 = arith.muli %scan3A_252, %mul3A_253 : i32
      %add3A_255 = arith.constant 0 : i32
      %add3A_256 = arith.addi %add3A_255, %mul3A_254 : i32
      %swap3A = arith.index_cast %add3A_256 : i32 to index
      %swap3A_257 = arith.constant 0 : index
      %swap3A_258 = tpu.vector_load %arg10[%swap3A, %swap3A_257] {strides = array<i32>} : memref<32x128xf32, #tpu.memory_space<vmem>>, vector<1x16xf32>,
      %swap3A_259 = vector.shape_cast %swap3A_258 : vector<1x16xf32> to vector<16xf32>
      %swap3A_260 = vector.shape_cast %broadcast_in_dim3A_1 : vector<16xf32> to vector<1x16xf32>
      tpu.vector_store %arg10[%swap3A, %swap3A_257], %swap3A_260 {strides = array<i32>} : memref<32x128xf32, #tpu.memory_space<vmem>>, vector<1x16xf32>,
      %swap3A_261 = arith.index_cast %add3A_256 : i32 to index
      %swap3A_262 = arith.constant 16 : index
      %swap3A_263 = tpu.vector_load %arg10[%swap3A_261, %swap3A_262] {strides = array<i32>} : memref<32x128xf32, #tpu.memory_space<vmem>>, vector<1x16xf32>,
      %swap3A_264 = vector.shape_cast %swap3A_263 : vector<1x16xf32> to vector<16xf32>
      %swap3A_265 = vector.shape_cast %broadcast_in_dim3A_1 : vector<16xf32> to vector<1x16xf32>
      tpu.vector_store %arg10[%swap3A_261, %swap3A_262], %swap3A_265 {strides = array<i32>} : memref<32x128xf32, #tpu.memory_space<vmem>>, vector<1x16xf32>,
      %swap3A_266 = arith.index_cast %add3A_256 : i32 to index
      %swap3A_267 = arith.constant 32 : index
      %swap3A_268 = tpu.vector_load %arg10[%swap3A_266, %swap3A_267] {strides = array<i32>} : memref<32x128xf32, #tpu.memory_space<vmem>>, vector<1x16xf32>,
      %swap3A_269 = vector.shape_cast %swap3A_268 : vector<1x16xf32> to vector<16xf32>
      %swap3A_270 = vector.shape_cast %broadcast_in_dim3A_1 : vector<16xf32> to vector<1x16xf32>
      tpu.vector_store %arg10[%swap3A_266, %swap3A_267], %swap3A_270 {strides = array<i32>} : memref<32x128xf32, #tpu.memory_space<vmem>>, vector<1x16xf32>,
      %swap3A_271 = arith.index_cast %add3A_256 : i32 to index
      %swap3A_272 = arith.constant 48 : index
      %swap3A_273 = tpu.vector_load %arg10[%swap3A_271, %swap3A_272] {strides = array<i32>} : memref<32x128xf32, #tpu.memory_space<vmem>>, vector<1x16xf32>,
      %swap3A_274 = vector.shape_cast %swap3A_273 : vector<1x16xf32> to vector<16xf32>
      %swap3A_275 = vector.shape_cast %broadcast_in_dim3A_1 : vector<16xf32> to vector<1x16xf32>
      tpu.vector_store %arg10[%swap3A_271, %swap3A_272], %swap3A_275 {strides = array<i32>} : memref<32x128xf32, #tpu.memory_space<vmem>>, vector<1x16xf32>,
      %swap3A_276 = arith.index_cast %add3A_256 : i32 to index
      %swap3A_277 = arith.constant 64 : index
      %swap3A_278 = tpu.vector_load %arg10[%swap3A_276, %swap3A_277] {strides = array<i32>} : memref<32x128xf32, #tpu.memory_space<vmem>>, vector<1x16xf32>,
      %swap3A_279 = vector.shape_cast %swap3A_278 : vector<1x16xf32> to vector<16xf32>
      %swap3A_280 = vector.shape_cast %broadcast_in_dim3A_1 : vector<16xf32> to vector<1x16xf32>
      tpu.vector_store %arg10[%swap3A_276, %swap3A_277], %swap3A_280 {strides = array<i32>} : memref<32x128xf32, #tpu.memory_space<vmem>>, vector<1x16xf32>,
      %swap3A_281 = arith.index_cast %add3A_256 : i32 to index
      %swap3A_282 = arith.constant 80 : index
      %swap3A_283 = tpu.vector_load %arg10[%swap3A_281, %swap3A_282] {strides = array<i32>} : memref<32x128xf32, #tpu.memory_space<vmem>>, vector<1x16xf32>,
      %swap3A_284 = vector.shape_cast %swap3A_283 : vector<1x16xf32> to vector<16xf32>
      %swap3A_285 = vector.shape_cast %broadcast_in_dim3A_1 : vector<16xf32> to vector<1x16xf32>
      tpu.vector_store %arg10[%swap3A_281, %swap3A_282], %swap3A_285 {strides = array<i32>} : memref<32x128xf32, #tpu.memory_space<vmem>>, vector<1x16xf32>,
      %swap3A_286 = arith.index_cast %add3A_256 : i32 to index
      %swap3A_287 = arith.constant 96 : index
      %swap3A_288 = tpu.vector_load %arg10[%swap3A_286, %swap3A_287] {strides = array<i32>} : memref<32x128xf32, #tpu.memory_space<vmem>>, vector<1x16xf32>,
      %swap3A_289 = vector.shape_cast %swap3A_288 : vector<1x16xf32> to vector<16xf32>
      %swap3A_290 = vector.shape_cast %broadcast_in_dim3A_1 : vector<16xf32> to vector<1x16xf32>
      tpu.vector_store %arg10[%swap3A_286, %swap3A_287], %swap3A_290 {strides = array<i32>} : memref<32x128xf32, #tpu.memory_space<vmem>>, vector<1x16xf32>,
      %swap3A_291 = arith.index_cast %add3A_256 : i32 to index
      %swap3A_292 = arith.constant 112 : index
      %swap3A_293 = tpu.vector_load %arg10[%swap3A_291, %swap3A_292] {strides = array<i32>} : memref<32x128xf32, #tpu.memory_space<vmem>>, vector<1x16xf32>,
      %swap3A_294 = vector.shape_cast %swap3A_293 : vector<1x16xf32> to vector<16xf32>
      %swap3A_295 = vector.shape_cast %broadcast_in_dim3A_1 : vector<16xf32> to vector<1x16xf32>
      tpu.vector_store %arg10[%swap3A_291, %swap3A_292], %swap3A_295 {strides = array<i32>} : memref<32x128xf32, #tpu.memory_space<vmem>>, vector<1x16xf32>,
    }
    %scan3A_5 = arith.constant 32 : i32
    %mul3A_6 = arith.constant 640 : i32
    %mul3A_7 = arith.muli %arg1, %mul3A_6 : i32
    %add3A_8 = arith.constant 0 : i32
    %add3A_9 = arith.addi %mul3A_7, %add3A_8 : i32
    %dma_start3A = arith.constant 0 : i32
    %dma_start3A_10 = tpu.memref_slice %arg11[%add3A_9, %dma_start3A] : memref<10240x128xf32, #tpu.memory_space<vmem_shared>> -> memref<32x128xf32, #tpu.memory_space<vmem_shared>>
    %dma_start3A_11 = arith.constant 0 : i32
    %dma_start3A_12 = tpu.memref_slice %arg11[%add3A_9, %dma_start3A_11] : memref<10240x128xf32, #tpu.memory_space<vmem_shared>> -> memref<32x128xf32, #tpu.memory_space<vmem_shared>>
    tpu.enqueue_dma source(%arg10 : memref<32x128xf32, #tpu.memory_space<vmem>>) target(%dma_start3A_12 : memref<32x128xf32, #tpu.memory_space<vmem_shared>>) target_semaphore(%arg12 : memref<!tpu.dma_semaphore, #tpu.memory_space<semaphore_mem>>)
    %add3A_13 = arith.constant 32 : i32
    %add3A_14 = arith.addi %mul3A_7, %add3A_13 : i32
    %dma_start3A_15 = arith.constant 0 : i32
    %dma_start3A_16 = tpu.memref_slice %arg11[%add3A_14, %dma_start3A_15] : memref<10240x128xf32, #tpu.memory_space<vmem_shared>> -> memref<32x128xf32, #tpu.memory_space<vmem_shared>>
    %dma_start3A_17 = arith.constant 0 : i32
    %dma_start3A_18 = tpu.memref_slice %arg11[%add3A_14, %dma_start3A_17] : memref<10240x128xf32, #tpu.memory_space<vmem_shared>> -> memref<32x128xf32, #tpu.memory_space<vmem_shared>>
    tpu.enqueue_dma source(%arg10 : memref<32x128xf32, #tpu.memory_space<vmem>>) target(%dma_start3A_18 : memref<32x128xf32, #tpu.memory_space<vmem_shared>>) target_semaphore(%arg12 : memref<!tpu.dma_semaphore, #tpu.memory_space<semaphore_mem>>)
    %add3A_19 = arith.constant 64 : i32
    %add3A_20 = arith.addi %mul3A_7, %add3A_19 : i32
    %dma_start3A_21 = arith.constant 0 : i32
    %dma_start3A_22 = tpu.memref_slice %arg11[%add3A_20, %dma_start3A_21] : memref<10240x128xf32, #tpu.memory_space<vmem_shared>> -> memref<32x128xf32, #tpu.memory_space<vmem_shared>>
    %dma_start3A_23 = arith.constant 0 : i32
    %dma_start3A_24 = tpu.memref_slice %arg11[%add3A_20, %dma_start3A_23] : memref<10240x128xf32, #tpu.memory_space<vmem_shared>> -> memref<32x128xf32, #tpu.memory_space<vmem_shared>>
    tpu.enqueue_dma source(%arg10 : memref<32x128xf32, #tpu.memory_space<vmem>>) target(%dma_start3A_24 : memref<32x128xf32, #tpu.memory_space<vmem_shared>>) target_semaphore(%arg12 : memref<!tpu.dma_semaphore, #tpu.memory_space<semaphore_mem>>)
    %add3A_25 = arith.constant 96 : i32
    %add3A_26 = arith.addi %mul3A_7, %add3A_25 : i32
    %dma_start3A_27 = arith.constant 0 : i32
    %dma_start3A_28 = tpu.memref_slice %arg11[%add3A_26, %dma_start3A_27] : memref<10240x128xf32, #tpu.memory_space<vmem_shared>> -> memref<32x128xf32, #tpu.memory_space<vmem_shared>>
    %dma_start3A_29 = arith.constant 0 : i32
    %dma_start3A_30 = tpu.memref_slice %arg11[%add3A_26, %dma_start3A_29] : memref<10240x128xf32, #tpu.memory_space<vmem_shared>> -> memref<32x128xf32, #tpu.memory_space<vmem_shared>>
    tpu.enqueue_dma source(%arg10 : memref<32x128xf32, #tpu.memory_space<vmem>>) target(%dma_start3A_30 : memref<32x128xf32, #tpu.memory_space<vmem_shared>>) target_semaphore(%arg12 : memref<!tpu.dma_semaphore, #tpu.memory_space<semaphore_mem>>)
    %add3A_31 = arith.constant 128 : i32
    %add3A_32 = arith.addi %mul3A_7, %add3A_31 : i32
    %dma_start3A_33 = arith.constant 0 : i32
    %dma_start3A_34 = tpu.memref_slice %arg11[%add3A_32, %dma_start3A_33] : memref<10240x128xf32, #tpu.memory_space<vmem_shared>> -> memref<32x128xf32, #tpu.memory_space<vmem_shared>>
    %dma_start3A_35 = arith.constant 0 : i32
    %dma_start3A_36 = tpu.memref_slice %arg11[%add3A_32, %dma_start3A_35] : memref<10240x128xf32, #tpu.memory_space<vmem_shared>> -> memref<32x128xf32, #tpu.memory_space<vmem_shared>>
    tpu.enqueue_dma source(%arg10 : memref<32x128xf32, #tpu.memory_space<vmem>>) target(%dma_start3A_36 : memref<32x128xf32, #tpu.memory_space<vmem_shared>>) target_semaphore(%arg12 : memref<!tpu.dma_semaphore, #tpu.memory_space<semaphore_mem>>)
    %add3A_37 = arith.constant 160 : i32
    %add3A_38 = arith.addi %mul3A_7, %add3A_37 : i32
    %dma_start3A_39 = arith.constant 0 : i32
    %dma_start3A_40 = tpu.memref_slice %arg11[%add3A_38, %dma_start3A_39] : memref<10240x128xf32, #tpu.memory_space<vmem_shared>> -> memref<32x128xf32, #tpu.memory_space<vmem_shared>>
    %dma_start3A_41 = arith.constant 0 : i32
    %dma_start3A_42 = tpu.memref_slice %arg11[%add3A_38, %dma_start3A_41] : memref<10240x128xf32, #tpu.memory_space<vmem_shared>> -> memref<32x128xf32, #tpu.memory_space<vmem_shared>>
    tpu.enqueue_dma source(%arg10 : memref<32x128xf32, #tpu.memory_space<vmem>>) target(%dma_start3A_42 : memref<32x128xf32, #tpu.memory_space<vmem_shared>>) target_semaphore(%arg12 : memref<!tpu.dma_semaphore, #tpu.memory_space<semaphore_mem>>)
    %add3A_43 = arith.constant 192 : i32
    %add3A_44 = arith.addi %mul3A_7, %add3A_43 : i32
    %dma_start3A_45 = arith.constant 0 : i32
    %dma_start3A_46 = tpu.memref_slice %arg11[%add3A_44, %dma_start3A_45] : memref<10240x128xf32, #tpu.memory_space<vmem_shared>> -> memref<32x128xf32, #tpu.memory_space<vmem_shared>>
    %dma_start3A_47 = arith.constant 0 : i32
    %dma_start3A_48 = tpu.memref_slice %arg11[%add3A_44, %dma_start3A_47] : memref<10240x128xf32, #tpu.memory_space<vmem_shared>> -> memref<32x128xf32, #tpu.memory_space<vmem_shared>>
    tpu.enqueue_dma source(%arg10 : memref<32x128xf32, #tpu.memory_space<vmem>>) target(%dma_start3A_48 : memref<32x128xf32, #tpu.memory_space<vmem_shared>>) target_semaphore(%arg12 : memref<!tpu.dma_semaphore, #tpu.memory_space<semaphore_mem>>)
    %add3A_49 = arith.constant 224 : i32
    %add3A_50 = arith.addi %mul3A_7, %add3A_49 : i32
    %dma_start3A_51 = arith.constant 0 : i32
    %dma_start3A_52 = tpu.memref_slice %arg11[%add3A_50, %dma_start3A_51] : memref<10240x128xf32, #tpu.memory_space<vmem_shared>> -> memref<32x128xf32, #tpu.memory_space<vmem_shared>>
    %dma_start3A_53 = arith.constant 0 : i32
    %dma_start3A_54 = tpu.memref_slice %arg11[%add3A_50, %dma_start3A_53] : memref<10240x128xf32, #tpu.memory_space<vmem_shared>> -> memref<32x128xf32, #tpu.memory_space<vmem_shared>>
    tpu.enqueue_dma source(%arg10 : memref<32x128xf32, #tpu.memory_space<vmem>>) target(%dma_start3A_54 : memref<32x128xf32, #tpu.memory_space<vmem_shared>>) target_semaphore(%arg12 : memref<!tpu.dma_semaphore, #tpu.memory_space<semaphore_mem>>)
    %add3A_55 = arith.constant 256 : i32
    %add3A_56 = arith.addi %mul3A_7, %add3A_55 : i32
    %dma_start3A_57 = arith.constant 0 : i32
    %dma_start3A_58 = tpu.memref_slice %arg11[%add3A_56, %dma_start3A_57] : memref<10240x128xf32, #tpu.memory_space<vmem_shared>> -> memref<32x128xf32, #tpu.memory_space<vmem_shared>>
    %dma_start3A_59 = arith.constant 0 : i32
    %dma_start3A_60 = tpu.memref_slice %arg11[%add3A_56, %dma_start3A_59] : memref<10240x128xf32, #tpu.memory_space<vmem_shared>> -> memref<32x128xf32, #tpu.memory_space<vmem_shared>>
    tpu.enqueue_dma source(%arg10 : memref<32x128xf32, #tpu.memory_space<vmem>>) target(%dma_start3A_60 : memref<32x128xf32, #tpu.memory_space<vmem_shared>>) target_semaphore(%arg12 : memref<!tpu.dma_semaphore, #tpu.memory_space<semaphore_mem>>)
    %add3A_61 = arith.constant 288 : i32
    %add3A_62 = arith.addi %mul3A_7, %add3A_61 : i32
    %dma_start3A_63 = arith.constant 0 : i32
    %dma_start3A_64 = tpu.memref_slice %arg11[%add3A_62, %dma_start3A_63] : memref<10240x128xf32, #tpu.memory_space<vmem_shared>> -> memref<32x128xf32, #tpu.memory_space<vmem_shared>>
    %dma_start3A_65 = arith.constant 0 : i32
    %dma_start3A_66 = tpu.memref_slice %arg11[%add3A_62, %dma_start3A_65] : memref<10240x128xf32, #tpu.memory_space<vmem_shared>> -> memref<32x128xf32, #tpu.memory_space<vmem_shared>>
    tpu.enqueue_dma source(%arg10 : memref<32x128xf32, #tpu.memory_space<vmem>>) target(%dma_start3A_66 : memref<32x128xf32, #tpu.memory_space<vmem_shared>>) target_semaphore(%arg12 : memref<!tpu.dma_semaphore, #tpu.memory_space<semaphore_mem>>)
    %add3A_67 = arith.constant 320 : i32
    %add3A_68 = arith.addi %mul3A_7, %add3A_67 : i32
    %dma_start3A_69 = arith.constant 0 : i32
    %dma_start3A_70 = tpu.memref_slice %arg11[%add3A_68, %dma_start3A_69] : memref<10240x128xf32, #tpu.memory_space<vmem_shared>> -> memref<32x128xf32, #tpu.memory_space<vmem_shared>>
    %dma_start3A_71 = arith.constant 0 : i32
    %dma_start3A_72 = tpu.memref_slice %arg11[%add3A_68, %dma_start3A_71] : memref<10240x128xf32, #tpu.memory_space<vmem_shared>> -> memref<32x128xf32, #tpu.memory_space<vmem_shared>>
    tpu.enqueue_dma source(%arg10 : memref<32x128xf32, #tpu.memory_space<vmem>>) target(%dma_start3A_72 : memref<32x128xf32, #tpu.memory_space<vmem_shared>>) target_semaphore(%arg12 : memref<!tpu.dma_semaphore, #tpu.memory_space<semaphore_mem>>)
    %add3A_73 = arith.constant 352 : i32
    %add3A_74 = arith.addi %mul3A_7, %add3A_73 : i32
    %dma_start3A_75 = arith.constant 0 : i32
    %dma_start3A_76 = tpu.memref_slice %arg11[%add3A_74, %dma_start3A_75] : memref<10240x128xf32, #tpu.memory_space<vmem_shared>> -> memref<32x128xf32, #tpu.memory_space<vmem_shared>>
    %dma_start3A_77 = arith.constant 0 : i32
    %dma_start3A_78 = tpu.memref_slice %arg11[%add3A_74, %dma_start3A_77] : memref<10240x128xf32, #tpu.memory_space<vmem_shared>> -> memref<32x128xf32, #tpu.memory_space<vmem_shared>>
    tpu.enqueue_dma source(%arg10 : memref<32x128xf32, #tpu.memory_space<vmem>>) target(%dma_start3A_78 : memref<32x128xf32, #tpu.memory_space<vmem_shared>>) target_semaphore(%arg12 : memref<!tpu.dma_semaphore, #tpu.memory_space<semaphore_mem>>)
    %add3A_79 = arith.constant 384 : i32
    %add3A_80 = arith.addi %mul3A_7, %add3A_79 : i32
    %dma_start3A_81 = arith.constant 0 : i32
    %dma_start3A_82 = tpu.memref_slice %arg11[%add3A_80, %dma_start3A_81] : memref<10240x128xf32, #tpu.memory_space<vmem_shared>> -> memref<32x128xf32, #tpu.memory_space<vmem_shared>>
    %dma_start3A_83 = arith.constant 0 : i32
    %dma_start3A_84 = tpu.memref_slice %arg11[%add3A_80, %dma_start3A_83] : memref<10240x128xf32, #tpu.memory_space<vmem_shared>> -> memref<32x128xf32, #tpu.memory_space<vmem_shared>>
    tpu.enqueue_dma source(%arg10 : memref<32x128xf32, #tpu.memory_space<vmem>>) target(%dma_start3A_84 : memref<32x128xf32, #tpu.memory_space<vmem_shared>>) target_semaphore(%arg12 : memref<!tpu.dma_semaphore, #tpu.memory_space<semaphore_mem>>)
    %add3A_85 = arith.constant 416 : i32
    %add3A_86 = arith.addi %mul3A_7, %add3A_85 : i32
    %dma_start3A_87 = arith.constant 0 : i32
    %dma_start3A_88 = tpu.memref_slice %arg11[%add3A_86, %dma_start3A_87] : memref<10240x128xf32, #tpu.memory_space<vmem_shared>> -> memref<32x128xf32, #tpu.memory_space<vmem_shared>>
    %dma_start3A_89 = arith.constant 0 : i32
    %dma_start3A_90 = tpu.memref_slice %arg11[%add3A_86, %dma_start3A_89] : memref<10240x128xf32, #tpu.memory_space<vmem_shared>> -> memref<32x128xf32, #tpu.memory_space<vmem_shared>>
    tpu.enqueue_dma source(%arg10 : memref<32x128xf32, #tpu.memory_space<vmem>>) target(%dma_start3A_90 : memref<32x128xf32, #tpu.memory_space<vmem_shared>>) target_semaphore(%arg12 : memref<!tpu.dma_semaphore, #tpu.memory_space<semaphore_mem>>)
    %add3A_91 = arith.constant 448 : i32
    %add3A_92 = arith.addi %mul3A_7, %add3A_91 : i32
    %dma_start3A_93 = arith.constant 0 : i32
    %dma_start3A_94 = tpu.memref_slice %arg11[%add3A_92, %dma_start3A_93] : memref<10240x128xf32, #tpu.memory_space<vmem_shared>> -> memref<32x128xf32, #tpu.memory_space<vmem_shared>>
    %dma_start3A_95 = arith.constant 0 : i32
    %dma_start3A_96 = tpu.memref_slice %arg11[%add3A_92, %dma_start3A_95] : memref<10240x128xf32, #tpu.memory_space<vmem_shared>> -> memref<32x128xf32, #tpu.memory_space<vmem_shared>>
    tpu.enqueue_dma source(%arg10 : memref<32x128xf32, #tpu.memory_space<vmem>>) target(%dma_start3A_96 : memref<32x128xf32, #tpu.memory_space<vmem_shared>>) target_semaphore(%arg12 : memref<!tpu.dma_semaphore, #tpu.memory_space<semaphore_mem>>)
    %add3A_97 = arith.constant 480 : i32
    %add3A_98 = arith.addi %mul3A_7, %add3A_97 : i32
    %dma_start3A_99 = arith.constant 0 : i32
    %dma_start3A_100 = tpu.memref_slice %arg11[%add3A_98, %dma_start3A_99] : memref<10240x128xf32, #tpu.memory_space<vmem_shared>> -> memref<32x128xf32, #tpu.memory_space<vmem_shared>>
    %dma_start3A_101 = arith.constant 0 : i32
    %dma_start3A_102 = tpu.memref_slice %arg11[%add3A_98, %dma_start3A_101] : memref<10240x128xf32, #tpu.memory_space<vmem_shared>> -> memref<32x128xf32, #tpu.memory_space<vmem_shared>>
    tpu.enqueue_dma source(%arg10 : memref<32x128xf32, #tpu.memory_space<vmem>>) target(%dma_start3A_102 : memref<32x128xf32, #tpu.memory_space<vmem_shared>>) target_semaphore(%arg12 : memref<!tpu.dma_semaphore, #tpu.memory_space<semaphore_mem>>)
    %add3A_103 = arith.constant 512 : i32
    %add3A_104 = arith.addi %mul3A_7, %add3A_103 : i32
    %dma_start3A_105 = arith.constant 0 : i32
    %dma_start3A_106 = tpu.memref_slice %arg11[%add3A_104, %dma_start3A_105] : memref<10240x128xf32, #tpu.memory_space<vmem_shared>> -> memref<32x128xf32, #tpu.memory_space<vmem_shared>>
    %dma_start3A_107 = arith.constant 0 : i32
    %dma_start3A_108 = tpu.memref_slice %arg11[%add3A_104, %dma_start3A_107] : memref<10240x128xf32, #tpu.memory_space<vmem_shared>> -> memref<32x128xf32, #tpu.memory_space<vmem_shared>>
    tpu.enqueue_dma source(%arg10 : memref<32x128xf32, #tpu.memory_space<vmem>>) target(%dma_start3A_108 : memref<32x128xf32, #tpu.memory_space<vmem_shared>>) target_semaphore(%arg12 : memref<!tpu.dma_semaphore, #tpu.memory_space<semaphore_mem>>)
    %add3A_109 = arith.constant 544 : i32
    %add3A_110 = arith.addi %mul3A_7, %add3A_109 : i32
    %dma_start3A_111 = arith.constant 0 : i32
    %dma_start3A_112 = tpu.memref_slice %arg11[%add3A_110, %dma_start3A_111] : memref<10240x128xf32, #tpu.memory_space<vmem_shared>> -> memref<32x128xf32, #tpu.memory_space<vmem_shared>>
    %dma_start3A_113 = arith.constant 0 : i32
    %dma_start3A_114 = tpu.memref_slice %arg11[%add3A_110, %dma_start3A_113] : memref<10240x128xf32, #tpu.memory_space<vmem_shared>> -> memref<32x128xf32, #tpu.memory_space<vmem_shared>>
    tpu.enqueue_dma source(%arg10 : memref<32x128xf32, #tpu.memory_space<vmem>>) target(%dma_start3A_114 : memref<32x128xf32, #tpu.memory_space<vmem_shared>>) target_semaphore(%arg12 : memref<!tpu.dma_semaphore, #tpu.memory_space<semaphore_mem>>)
    %add3A_115 = arith.constant 576 : i32
    %add3A_116 = arith.addi %mul3A_7, %add3A_115 : i32
    %dma_start3A_117 = arith.constant 0 : i32
    %dma_start3A_118 = tpu.memref_slice %arg11[%add3A_116, %dma_start3A_117] : memref<10240x128xf32, #tpu.memory_space<vmem_shared>> -> memref<32x128xf32, #tpu.memory_space<vmem_shared>>
    %dma_start3A_119 = arith.constant 0 : i32
    %dma_start3A_120 = tpu.memref_slice %arg11[%add3A_116, %dma_start3A_119] : memref<10240x128xf32, #tpu.memory_space<vmem_shared>> -> memref<32x128xf32, #tpu.memory_space<vmem_shared>>
    tpu.enqueue_dma source(%arg10 : memref<32x128xf32, #tpu.memory_space<vmem>>) target(%dma_start3A_120 : memref<32x128xf32, #tpu.memory_space<vmem_shared>>) target_semaphore(%arg12 : memref<!tpu.dma_semaphore, #tpu.memory_space<semaphore_mem>>)
    %add3A_121 = arith.constant 608 : i32
    %add3A_122 = arith.addi %mul3A_7, %add3A_121 : i32
    %dma_start3A_123 = arith.constant 0 : i32
    %dma_start3A_124 = tpu.memref_slice %arg11[%add3A_122, %dma_start3A_123] : memref<10240x128xf32, #tpu.memory_space<vmem_shared>> -> memref<32x128xf32, #tpu.memory_space<vmem_shared>>
    %dma_start3A_125 = arith.constant 0 : i32
    %dma_start3A_126 = tpu.memref_slice %arg11[%add3A_122, %dma_start3A_125] : memref<10240x128xf32, #tpu.memory_space<vmem_shared>> -> memref<32x128xf32, #tpu.memory_space<vmem_shared>>
    tpu.enqueue_dma source(%arg10 : memref<32x128xf32, #tpu.memory_space<vmem>>) target(%dma_start3A_126 : memref<32x128xf32, #tpu.memory_space<vmem_shared>>) target_semaphore(%arg12 : memref<!tpu.dma_semaphore, #tpu.memory_space<semaphore_mem>>)
    %add3A_127 = arith.constant 0 : i32
    %add3A_128 = arith.addi %mul3A_7, %add3A_127 : i32
    %dma_wait3A = arith.constant 0 : i32
    %dma_wait3A_129 = tpu.memref_slice %arg11[%add3A_128, %dma_wait3A] : memref<10240x128xf32, #tpu.memory_space<vmem_shared>> -> memref<32x128xf32, #tpu.memory_space<vmem_shared>>
    %dma_wait3A_130 = arith.constant 0 : i32
    %dma_wait3A_131 = tpu.memref_slice %arg11[%add3A_128, %dma_wait3A_130] : memref<10240x128xf32, #tpu.memory_space<vmem_shared>> -> memref<32x128xf32, #tpu.memory_space<vmem_shared>>
    tpu.wait_dma2 semaphore(%arg12 : memref<!tpu.dma_semaphore, #tpu.memory_space<semaphore_mem>>) src(%arg10 : memref<32x128xf32, #tpu.memory_space<vmem>>) dst(%dma_wait3A_131 : memref<32x128xf32, #tpu.memory_space<vmem_shared>>)
    %add3A_132 = arith.constant 32 : i32
    %add3A_133 = arith.addi %mul3A_7, %add3A_132 : i32
    %dma_wait3A_134 = arith.constant 0 : i32
    %dma_wait3A_135 = tpu.memref_slice %arg11[%add3A_133, %dma_wait3A_134] : memref<10240x128xf32, #tpu.memory_space<vmem_shared>> -> memref<32x128xf32, #tpu.memory_space<vmem_shared>>
    %dma_wait3A_136 = arith.constant 0 : i32
    %dma_wait3A_137 = tpu.memref_slice %arg11[%add3A_133, %dma_wait3A_136] : memref<10240x128xf32, #tpu.memory_space<vmem_shared>> -> memref<32x128xf32, #tpu.memory_space<vmem_shared>>
    tpu.wait_dma2 semaphore(%arg12 : memref<!tpu.dma_semaphore, #tpu.memory_space<semaphore_mem>>) src(%arg10 : memref<32x128xf32, #tpu.memory_space<vmem>>) dst(%dma_wait3A_137 : memref<32x128xf32, #tpu.memory_space<vmem_shared>>)
    %add3A_138 = arith.constant 64 : i32
    %add3A_139 = arith.addi %mul3A_7, %add3A_138 : i32
    %dma_wait3A_140 = arith.constant 0 : i32
    %dma_wait3A_141 = tpu.memref_slice %arg11[%add3A_139, %dma_wait3A_140] : memref<10240x128xf32, #tpu.memory_space<vmem_shared>> -> memref<32x128xf32, #tpu.memory_space<vmem_shared>>
    %dma_wait3A_142 = arith.constant 0 : i32
    %dma_wait3A_143 = tpu.memref_slice %arg11[%add3A_139, %dma_wait3A_142] : memref<10240x128xf32, #tpu.memory_space<vmem_shared>> -> memref<32x128xf32, #tpu.memory_space<vmem_shared>>
    tpu.wait_dma2 semaphore(%arg12 : memref<!tpu.dma_semaphore, #tpu.memory_space<semaphore_mem>>) src(%arg10 : memref<32x128xf32, #tpu.memory_space<vmem>>) dst(%dma_wait3A_143 : memref<32x128xf32, #tpu.memory_space<vmem_shared>>)
    %add3A_144 = arith.constant 96 : i32
    %add3A_145 = arith.addi %mul3A_7, %add3A_144 : i32
    %dma_wait3A_146 = arith.constant 0 : i32
    %dma_wait3A_147 = tpu.memref_slice %arg11[%add3A_145, %dma_wait3A_146] : memref<10240x128xf32, #tpu.memory_space<vmem_shared>> -> memref<32x128xf32, #tpu.memory_space<vmem_shared>>
    %dma_wait3A_148 = arith.constant 0 : i32
    %dma_wait3A_149 = tpu.memref_slice %arg11[%add3A_145, %dma_wait3A_148] : memref<10240x128xf32, #tpu.memory_space<vmem_shared>> -> memref<32x128xf32, #tpu.memory_space<vmem_shared>>
    tpu.wait_dma2 semaphore(%arg12 : memref<!tpu.dma_semaphore, #tpu.memory_space<semaphore_mem>>) src(%arg10 : memref<32x128xf32, #tpu.memory_space<vmem>>) dst(%dma_wait3A_149 : memref<32x128xf32, #tpu.memory_space<vmem_shared>>)
    %add3A_150 = arith.constant 128 : i32
    %add3A_151 = arith.addi %mul3A_7, %add3A_150 : i32
    %dma_wait3A_152 = arith.constant 0 : i32
    %dma_wait3A_153 = tpu.memref_slice %arg11[%add3A_151, %dma_wait3A_152] : memref<10240x128xf32, #tpu.memory_space<vmem_shared>> -> memref<32x128xf32, #tpu.memory_space<vmem_shared>>
    %dma_wait3A_154 = arith.constant 0 : i32
    %dma_wait3A_155 = tpu.memref_slice %arg11[%add3A_151, %dma_wait3A_154] : memref<10240x128xf32, #tpu.memory_space<vmem_shared>> -> memref<32x128xf32, #tpu.memory_space<vmem_shared>>
    tpu.wait_dma2 semaphore(%arg12 : memref<!tpu.dma_semaphore, #tpu.memory_space<semaphore_mem>>) src(%arg10 : memref<32x128xf32, #tpu.memory_space<vmem>>) dst(%dma_wait3A_155 : memref<32x128xf32, #tpu.memory_space<vmem_shared>>)
    %add3A_156 = arith.constant 160 : i32
    %add3A_157 = arith.addi %mul3A_7, %add3A_156 : i32
    %dma_wait3A_158 = arith.constant 0 : i32
    %dma_wait3A_159 = tpu.memref_slice %arg11[%add3A_157, %dma_wait3A_158] : memref<10240x128xf32, #tpu.memory_space<vmem_shared>> -> memref<32x128xf32, #tpu.memory_space<vmem_shared>>
    %dma_wait3A_160 = arith.constant 0 : i32
    %dma_wait3A_161 = tpu.memref_slice %arg11[%add3A_157, %dma_wait3A_160] : memref<10240x128xf32, #tpu.memory_space<vmem_shared>> -> memref<32x128xf32, #tpu.memory_space<vmem_shared>>
    tpu.wait_dma2 semaphore(%arg12 : memref<!tpu.dma_semaphore, #tpu.memory_space<semaphore_mem>>) src(%arg10 : memref<32x128xf32, #tpu.memory_space<vmem>>) dst(%dma_wait3A_161 : memref<32x128xf32, #tpu.memory_space<vmem_shared>>)
    %add3A_162 = arith.constant 192 : i32
    %add3A_163 = arith.addi %mul3A_7, %add3A_162 : i32
    %dma_wait3A_164 = arith.constant 0 : i32
    %dma_wait3A_165 = tpu.memref_slice %arg11[%add3A_163, %dma_wait3A_164] : memref<10240x128xf32, #tpu.memory_space<vmem_shared>> -> memref<32x128xf32, #tpu.memory_space<vmem_shared>>
    %dma_wait3A_166 = arith.constant 0 : i32
    %dma_wait3A_167 = tpu.memref_slice %arg11[%add3A_163, %dma_wait3A_166] : memref<10240x128xf32, #tpu.memory_space<vmem_shared>> -> memref<32x128xf32, #tpu.memory_space<vmem_shared>>
    tpu.wait_dma2 semaphore(%arg12 : memref<!tpu.dma_semaphore, #tpu.memory_space<semaphore_mem>>) src(%arg10 : memref<32x128xf32, #tpu.memory_space<vmem>>) dst(%dma_wait3A_167 : memref<32x128xf32, #tpu.memory_space<vmem_shared>>)
    %add3A_168 = arith.constant 224 : i32
    %add3A_169 = arith.addi %mul3A_7, %add3A_168 : i32
    %dma_wait3A_170 = arith.constant 0 : i32
    %dma_wait3A_171 = tpu.memref_slice %arg11[%add3A_169, %dma_wait3A_170] : memref<10240x128xf32, #tpu.memory_space<vmem_shared>> -> memref<32x128xf32, #tpu.memory_space<vmem_shared>>
    %dma_wait3A_172 = arith.constant 0 : i32
    %dma_wait3A_173 = tpu.memref_slice %arg11[%add3A_169, %dma_wait3A_172] : memref<10240x128xf32, #tpu.memory_space<vmem_shared>> -> memref<32x128xf32, #tpu.memory_space<vmem_shared>>
    tpu.wait_dma2 semaphore(%arg12 : memref<!tpu.dma_semaphore, #tpu.memory_space<semaphore_mem>>) src(%arg10 : memref<32x128xf32, #tpu.memory_space<vmem>>) dst(%dma_wait3A_173 : memref<32x128xf32, #tpu.memory_space<vmem_shared>>)
    %add3A_174 = arith.constant 256 : i32
    %add3A_175 = arith.addi %mul3A_7, %add3A_174 : i32
    %dma_wait3A_176 = arith.constant 0 : i32
    %dma_wait3A_177 = tpu.memref_slice %arg11[%add3A_175, %dma_wait3A_176] : memref<10240x128xf32, #tpu.memory_space<vmem_shared>> -> memref<32x128xf32, #tpu.memory_space<vmem_shared>>
    %dma_wait3A_178 = arith.constant 0 : i32
    %dma_wait3A_179 = tpu.memref_slice %arg11[%add3A_175, %dma_wait3A_178] : memref<10240x128xf32, #tpu.memory_space<vmem_shared>> -> memref<32x128xf32, #tpu.memory_space<vmem_shared>>
    tpu.wait_dma2 semaphore(%arg12 : memref<!tpu.dma_semaphore, #tpu.memory_space<semaphore_mem>>) src(%arg10 : memref<32x128xf32, #tpu.memory_space<vmem>>) dst(%dma_wait3A_179 : memref<32x128xf32, #tpu.memory_space<vmem_shared>>)
    %add3A_180 = arith.constant 288 : i32
    %add3A_181 = arith.addi %mul3A_7, %add3A_180 : i32
    %dma_wait3A_182 = arith.constant 0 : i32
    %dma_wait3A_183 = tpu.memref_slice %arg11[%add3A_181, %dma_wait3A_182] : memref<10240x128xf32, #tpu.memory_space<vmem_shared>> -> memref<32x128xf32, #tpu.memory_space<vmem_shared>>
    %dma_wait3A_184 = arith.constant 0 : i32
    %dma_wait3A_185 = tpu.memref_slice %arg11[%add3A_181, %dma_wait3A_184] : memref<10240x128xf32, #tpu.memory_space<vmem_shared>> -> memref<32x128xf32, #tpu.memory_space<vmem_shared>>
    tpu.wait_dma2 semaphore(%arg12 : memref<!tpu.dma_semaphore, #tpu.memory_space<semaphore_mem>>) src(%arg10 : memref<32x128xf32, #tpu.memory_space<vmem>>) dst(%dma_wait3A_185 : memref<32x128xf32, #tpu.memory_space<vmem_shared>>)
    %add3A_186 = arith.constant 320 : i32
    %add3A_187 = arith.addi %mul3A_7, %add3A_186 : i32
    %dma_wait3A_188 = arith.constant 0 : i32
    %dma_wait3A_189 = tpu.memref_slice %arg11[%add3A_187, %dma_wait3A_188] : memref<10240x128xf32, #tpu.memory_space<vmem_shared>> -> memref<32x128xf32, #tpu.memory_space<vmem_shared>>
    %dma_wait3A_190 = arith.constant 0 : i32
    %dma_wait3A_191 = tpu.memref_slice %arg11[%add3A_187, %dma_wait3A_190] : memref<10240x128xf32, #tpu.memory_space<vmem_shared>> -> memref<32x128xf32, #tpu.memory_space<vmem_shared>>
    tpu.wait_dma2 semaphore(%arg12 : memref<!tpu.dma_semaphore, #tpu.memory_space<semaphore_mem>>) src(%arg10 : memref<32x128xf32, #tpu.memory_space<vmem>>) dst(%dma_wait3A_191 : memref<32x128xf32, #tpu.memory_space<vmem_shared>>)
    %add3A_192 = arith.constant 352 : i32
    %add3A_193 = arith.addi %mul3A_7, %add3A_192 : i32
    %dma_wait3A_194 = arith.constant 0 : i32
    %dma_wait3A_195 = tpu.memref_slice %arg11[%add3A_193, %dma_wait3A_194] : memref<10240x128xf32, #tpu.memory_space<vmem_shared>> -> memref<32x128xf32, #tpu.memory_space<vmem_shared>>
    %dma_wait3A_196 = arith.constant 0 : i32
    %dma_wait3A_197 = tpu.memref_slice %arg11[%add3A_193, %dma_wait3A_196] : memref<10240x128xf32, #tpu.memory_space<vmem_shared>> -> memref<32x128xf32, #tpu.memory_space<vmem_shared>>
    tpu.wait_dma2 semaphore(%arg12 : memref<!tpu.dma_semaphore, #tpu.memory_space<semaphore_mem>>) src(%arg10 : memref<32x128xf32, #tpu.memory_space<vmem>>) dst(%dma_wait3A_197 : memref<32x128xf32, #tpu.memory_space<vmem_shared>>)
    %add3A_198 = arith.constant 384 : i32
    %add3A_199 = arith.addi %mul3A_7, %add3A_198 : i32
    %dma_wait3A_200 = arith.constant 0 : i32
    %dma_wait3A_201 = tpu.memref_slice %arg11[%add3A_199, %dma_wait3A_200] : memref<10240x128xf32, #tpu.memory_space<vmem_shared>> -> memref<32x128xf32, #tpu.memory_space<vmem_shared>>
    %dma_wait3A_202 = arith.constant 0 : i32
    %dma_wait3A_203 = tpu.memref_slice %arg11[%add3A_199, %dma_wait3A_202] : memref<10240x128xf32, #tpu.memory_space<vmem_shared>> -> memref<32x128xf32, #tpu.memory_space<vmem_shared>>
    tpu.wait_dma2 semaphore(%arg12 : memref<!tpu.dma_semaphore, #tpu.memory_space<semaphore_mem>>) src(%arg10 : memref<32x128xf32, #tpu.memory_space<vmem>>) dst(%dma_wait3A_203 : memref<32x128xf32, #tpu.memory_space<vmem_shared>>)
    %add3A_204 = arith.constant 416 : i32
    %add3A_205 = arith.addi %mul3A_7, %add3A_204 : i32
    %dma_wait3A_206 = arith.constant 0 : i32
    %dma_wait3A_207 = tpu.memref_slice %arg11[%add3A_205, %dma_wait3A_206] : memref<10240x128xf32, #tpu.memory_space<vmem_shared>> -> memref<32x128xf32, #tpu.memory_space<vmem_shared>>
    %dma_wait3A_208 = arith.constant 0 : i32
    %dma_wait3A_209 = tpu.memref_slice %arg11[%add3A_205, %dma_wait3A_208] : memref<10240x128xf32, #tpu.memory_space<vmem_shared>> -> memref<32x128xf32, #tpu.memory_space<vmem_shared>>
    tpu.wait_dma2 semaphore(%arg12 : memref<!tpu.dma_semaphore, #tpu.memory_space<semaphore_mem>>) src(%arg10 : memref<32x128xf32, #tpu.memory_space<vmem>>) dst(%dma_wait3A_209 : memref<32x128xf32, #tpu.memory_space<vmem_shared>>)
    %add3A_210 = arith.constant 448 : i32
    %add3A_211 = arith.addi %mul3A_7, %add3A_210 : i32
    %dma_wait3A_212 = arith.constant 0 : i32
    %dma_wait3A_213 = tpu.memref_slice %arg11[%add3A_211, %dma_wait3A_212] : memref<10240x128xf32, #tpu.memory_space<vmem_shared>> -> memref<32x128xf32, #tpu.memory_space<vmem_shared>>
    %dma_wait3A_214 = arith.constant 0 : i32
    %dma_wait3A_215 = tpu.memref_slice %arg11[%add3A_211, %dma_wait3A_214] : memref<10240x128xf32, #tpu.memory_space<vmem_shared>> -> memref<32x128xf32, #tpu.memory_space<vmem_shared>>
    tpu.wait_dma2 semaphore(%arg12 : memref<!tpu.dma_semaphore, #tpu.memory_space<semaphore_mem>>) src(%arg10 : memref<32x128xf32, #tpu.memory_space<vmem>>) dst(%dma_wait3A_215 : memref<32x128xf32, #tpu.memory_space<vmem_shared>>)
    %add3A_216 = arith.constant 480 : i32
    %add3A_217 = arith.addi %mul3A_7, %add3A_216 : i32
    %dma_wait3A_218 = arith.constant 0 : i32
    %dma_wait3A_219 = tpu.memref_slice %arg11[%add3A_217, %dma_wait3A_218] : memref<10240x128xf32, #tpu.memory_space<vmem_shared>> -> memref<32x128xf32, #tpu.memory_space<vmem_shared>>
    %dma_wait3A_220 = arith.constant 0 : i32
    %dma_wait3A_221 = tpu.memref_slice %arg11[%add3A_217, %dma_wait3A_220] : memref<10240x128xf32, #tpu.memory_space<vmem_shared>> -> memref<32x128xf32, #tpu.memory_space<vmem_shared>>
    tpu.wait_dma2 semaphore(%arg12 : memref<!tpu.dma_semaphore, #tpu.memory_space<semaphore_mem>>) src(%arg10 : memref<32x128xf32, #tpu.memory_space<vmem>>) dst(%dma_wait3A_221 : memref<32x128xf32, #tpu.memory_space<vmem_shared>>)
    %add3A_222 = arith.constant 512 : i32
    %add3A_223 = arith.addi %mul3A_7, %add3A_222 : i32
    %dma_wait3A_224 = arith.constant 0 : i32
    %dma_wait3A_225 = tpu.memref_slice %arg11[%add3A_223, %dma_wait3A_224] : memref<10240x128xf32, #tpu.memory_space<vmem_shared>> -> memref<32x128xf32, #tpu.memory_space<vmem_shared>>
    %dma_wait3A_226 = arith.constant 0 : i32
    %dma_wait3A_227 = tpu.memref_slice %arg11[%add3A_223, %dma_wait3A_226] : memref<10240x128xf32, #tpu.memory_space<vmem_shared>> -> memref<32x128xf32, #tpu.memory_space<vmem_shared>>
    tpu.wait_dma2 semaphore(%arg12 : memref<!tpu.dma_semaphore, #tpu.memory_space<semaphore_mem>>) src(%arg10 : memref<32x128xf32, #tpu.memory_space<vmem>>) dst(%dma_wait3A_227 : memref<32x128xf32, #tpu.memory_space<vmem_shared>>)
    %add3A_228 = arith.constant 544 : i32
    %add3A_229 = arith.addi %mul3A_7, %add3A_228 : i32
    %dma_wait3A_230 = arith.constant 0 : i32
    %dma_wait3A_231 = tpu.memref_slice %arg11[%add3A_229, %dma_wait3A_230] : memref<10240x128xf32, #tpu.memory_space<vmem_shared>> -> memref<32x128xf32, #tpu.memory_space<vmem_shared>>
    %dma_wait3A_232 = arith.constant 0 : i32
    %dma_wait3A_233 = tpu.memref_slice %arg11[%add3A_229, %dma_wait3A_232] : memref<10240x128xf32, #tpu.memory_space<vmem_shared>> -> memref<32x128xf32, #tpu.memory_space<vmem_shared>>
    tpu.wait_dma2 semaphore(%arg12 : memref<!tpu.dma_semaphore, #tpu.memory_space<semaphore_mem>>) src(%arg10 : memref<32x128xf32, #tpu.memory_space<vmem>>) dst(%dma_wait3A_233 : memref<32x128xf32, #tpu.memory_space<vmem_shared>>)
    %add3A_234 = arith.constant 576 : i32
    %add3A_235 = arith.addi %mul3A_7, %add3A_234 : i32
    %dma_wait3A_236 = arith.constant 0 : i32
    %dma_wait3A_237 = tpu.memref_slice %arg11[%add3A_235, %dma_wait3A_236] : memref<10240x128xf32, #tpu.memory_space<vmem_shared>> -> memref<32x128xf32, #tpu.memory_space<vmem_shared>>
    %dma_wait3A_238 = arith.constant 0 : i32
    %dma_wait3A_239 = tpu.memref_slice %arg11[%add3A_235, %dma_wait3A_238] : memref<10240x128xf32, #tpu.memory_space<vmem_shared>> -> memref<32x128xf32, #tpu.memory_space<vmem_shared>>
    tpu.wait_dma2 semaphore(%arg12 : memref<!tpu.dma_semaphore, #tpu.memory_space<semaphore_mem>>) src(%arg10 : memref<32x128xf32, #tpu.memory_space<vmem>>) dst(%dma_wait3A_239 : memref<32x128xf32, #tpu.memory_space<vmem_shared>>)
    %add3A_240 = arith.constant 608 : i32
    %add3A_241 = arith.addi %mul3A_7, %add3A_240 : i32
    %dma_wait3A_242 = arith.constant 0 : i32
    %dma_wait3A_243 = tpu.memref_slice %arg11[%add3A_241, %dma_wait3A_242] : memref<10240x128xf32, #tpu.memory_space<vmem_shared>> -> memref<32x128xf32, #tpu.memory_space<vmem_shared>>
    %dma_wait3A_244 = arith.constant 0 : i32
    %dma_wait3A_245 = tpu.memref_slice %arg11[%add3A_241, %dma_wait3A_244] : memref<10240x128xf32, #tpu.memory_space<vmem_shared>> -> memref<32x128xf32, #tpu.memory_space<vmem_shared>>
    tpu.wait_dma2 semaphore(%arg12 : memref<!tpu.dma_semaphore, #tpu.memory_space<semaphore_mem>>) src(%arg10 : memref<32x128xf32, #tpu.memory_space<vmem>>) dst(%dma_wait3A_245 : memref<32x128xf32, #tpu.memory_space<vmem_shared>>)
    %barrier3A = arith.constant 0 : index
    tpu.barrier barrier_id(%barrier3A)
    %scan3A_246 = arith.constant 0 : i32
    %scan3A_247 = arith.constant 3 : i32
    %scan3A_248 = arith.addi %scan3A_246, %scan3A_247 : i32
    %scan3A_249 = arith.constant 1 : i32
    scf.for %scan3A_252 = %scan3A_246 to %scan3A_248 step %scan3A_249  : i32 {
      %mul3A_253 = arith.constant 1 : i32
      %mul3A_254 = arith.muli %scan3A_252, %mul3A_253 : i32
      %add3A_255 = arith.constant 0 : i32
      %add3A_256 = arith.addi %add3A_255, %mul3A_254 : i32
      "tpu.region"() ({
        %run_scoped3A_291 = tpu.sem_alloc : memref<!tpu.dma_semaphore, #tpu.memory_space<semaphore_mem>>
        %dma_start3A_292 = arith.constant 0 : i32
        %dma_start3A_293 = arith.constant 0 : i32
        %dma_start3A_294 = tpu.memref_slice %arg3[%add3A, %add3A_256, %dma_start3A_292, %dma_start3A_293] : memref<32x3x42x80xi32, #tpu.memory_space<hbm>> -> memref<1x1x42x80xi32, #tpu.memory_space<hbm>>
        %dma_start3A_295 = tpu.memref_squeeze %dma_start3A_294 : memref<1x1x42x80xi32, #tpu.memory_space<hbm>> -> memref<42x80xi32, #tpu.memory_space<hbm>>
        %dma_start3A_296 = arith.constant 0 : i32
        %dma_start3A_297 = arith.constant 0 : i32
        %dma_start3A_298 = tpu.memref_slice %arg3[%add3A, %add3A_256, %dma_start3A_296, %dma_start3A_297] : memref<32x3x42x80xi32, #tpu.memory_space<hbm>> -> memref<1x1x42x80xi32, #tpu.memory_space<hbm>>
        %dma_start3A_299 = tpu.memref_squeeze %dma_start3A_298 : memref<1x1x42x80xi32, #tpu.memory_space<hbm>> -> memref<42x80xi32, #tpu.memory_space<hbm>>
        tpu.enqueue_dma source(%dma_start3A_299 : memref<42x80xi32, #tpu.memory_space<hbm>>) target(%arg6 : memref<42x80xi32, #tpu.memory_space<vmem>>) target_semaphore(%run_scoped3A_291 : memref<!tpu.dma_semaphore, #tpu.memory_space<semaphore_mem>>)
        %dma_wait3A_300 = arith.constant 0 : i32
        %dma_wait3A_301 = arith.constant 0 : i32
        %dma_wait3A_302 = tpu.memref_slice %arg3[%add3A, %add3A_256, %dma_wait3A_300, %dma_wait3A_301] : memref<32x3x42x80xi32, #tpu.memory_space<hbm>> -> memref<1x1x42x80xi32, #tpu.memory_space<hbm>>
        %dma_wait3A_303 = tpu.memref_squeeze %dma_wait3A_302 : memref<1x1x42x80xi32, #tpu.memory_space<hbm>> -> memref<42x80xi32, #tpu.memory_space<hbm>>
        %dma_wait3A_304 = arith.constant 0 : i32
        %dma_wait3A_305 = arith.constant 0 : i32
        %dma_wait3A_306 = tpu.memref_slice %arg3[%add3A, %add3A_256, %dma_wait3A_304, %dma_wait3A_305] : memref<32x3x42x80xi32, #tpu.memory_space<hbm>> -> memref<1x1x42x80xi32, #tpu.memory_space<hbm>>
        %dma_wait3A_307 = tpu.memref_squeeze %dma_wait3A_306 : memref<1x1x42x80xi32, #tpu.memory_space<hbm>> -> memref<42x80xi32, #tpu.memory_space<hbm>>
        tpu.wait_dma2 semaphore(%run_scoped3A_291 : memref<!tpu.dma_semaphore, #tpu.memory_space<semaphore_mem>>) src(%dma_wait3A_307 : memref<42x80xi32, #tpu.memory_space<hbm>>) dst(%arg6 : memref<42x80xi32, #tpu.memory_space<vmem>>)
        tpu.yield
      }) : () -> ()
      "tpu.region"() ({
        %run_scoped3A_291 = tpu.sem_alloc : memref<!tpu.dma_semaphore, #tpu.memory_space<semaphore_mem>>
        %dma_start3A_292 = arith.constant 0 : i32
        %dma_start3A_293 = arith.constant 0 : i32
        %dma_start3A_294 = tpu.memref_slice %arg4[%add3A, %add3A_256, %dma_start3A_292, %dma_start3A_293] : memref<32x3x42x80xi32, #tpu.memory_space<hbm>> -> memref<1x1x42x80xi32, #tpu.memory_space<hbm>>
        %dma_start3A_295 = tpu.memref_squeeze %dma_start3A_294 : memref<1x1x42x80xi32, #tpu.memory_space<hbm>> -> memref<42x80xi32, #tpu.memory_space<hbm>>
        %dma_start3A_296 = arith.constant 0 : i32
        %dma_start3A_297 = arith.constant 0 : i32
        %dma_start3A_298 = tpu.memref_slice %arg4[%add3A, %add3A_256, %dma_start3A_296, %dma_start3A_297] : memref<32x3x42x80xi32, #tpu.memory_space<hbm>> -> memref<1x1x42x80xi32, #tpu.memory_space<hbm>>
        %dma_start3A_299 = tpu.memref_squeeze %dma_start3A_298 : memref<1x1x42x80xi32, #tpu.memory_space<hbm>> -> memref<42x80xi32, #tpu.memory_space<hbm>>
        tpu.enqueue_dma source(%dma_start3A_299 : memref<42x80xi32, #tpu.memory_space<hbm>>) target(%arg7 : memref<42x80xi32, #tpu.memory_space<vmem>>) target_semaphore(%run_scoped3A_291 : memref<!tpu.dma_semaphore, #tpu.memory_space<semaphore_mem>>)
        %dma_wait3A_300 = arith.constant 0 : i32
        %dma_wait3A_301 = arith.constant 0 : i32
        %dma_wait3A_302 = tpu.memref_slice %arg4[%add3A, %add3A_256, %dma_wait3A_300, %dma_wait3A_301] : memref<32x3x42x80xi32, #tpu.memory_space<hbm>> -> memref<1x1x42x80xi32, #tpu.memory_space<hbm>>
        %dma_wait3A_303 = tpu.memref_squeeze %dma_wait3A_302 : memref<1x1x42x80xi32, #tpu.memory_space<hbm>> -> memref<42x80xi32, #tpu.memory_space<hbm>>
        %dma_wait3A_304 = arith.constant 0 : i32
        %dma_wait3A_305 = arith.constant 0 : i32
        %dma_wait3A_306 = tpu.memref_slice %arg4[%add3A, %add3A_256, %dma_wait3A_304, %dma_wait3A_305] : memref<32x3x42x80xi32, #tpu.memory_space<hbm>> -> memref<1x1x42x80xi32, #tpu.memory_space<hbm>>
        %dma_wait3A_307 = tpu.memref_squeeze %dma_wait3A_306 : memref<1x1x42x80xi32, #tpu.memory_space<hbm>> -> memref<42x80xi32, #tpu.memory_space<hbm>>
        tpu.wait_dma2 semaphore(%run_scoped3A_291 : memref<!tpu.dma_semaphore, #tpu.memory_space<semaphore_mem>>) src(%dma_wait3A_307 : memref<42x80xi32, #tpu.memory_space<hbm>>) dst(%arg7 : memref<42x80xi32, #tpu.memory_space<vmem>>)
        tpu.yield
      }) : () -> ()
      %dma_start3A_257 = arith.constant 0 : i32
      %dma_start3A_258 = arith.constant 0 : i32
      %dma_start3A_259 = tpu.memref_slice %arg6[%dma_start3A_257, %dma_start3A_258] : memref<42x80xi32, #tpu.memory_space<vmem>> -> memref<1x80xi32, #tpu.memory_space<vmem>>
      %dma_start3A_260 = tpu.memref_squeeze %dma_start3A_259 : memref<1x80xi32, #tpu.memory_space<vmem>> -> memref<80xi32, #tpu.memory_space<vmem>>
      %dma_start3A_261 = arith.constant 0 : i32
      %dma_start3A_262 = arith.constant 0 : i32
      %dma_start3A_263 = tpu.memref_slice %arg2[%dma_start3A_261, %dma_start3A_262] : memref<10000x128xf32, #tpu.memory_space<hbm>> -> memref<10000x128xf32, #tpu.memory_space<hbm>>
      tpu.enqueue_indirect_dma source(%dma_start3A_263 : memref<10000x128xf32, #tpu.memory_space<hbm>>) target(%arg8 : memref<80x128xf32, #tpu.memory_space<vmem>>) offsets(%dma_start3A_260 : memref<80xi32, #tpu.memory_space<vmem>>) semaphore(%arg12 : memref<!tpu.dma_semaphore, #tpu.memory_space<semaphore_mem>>)
      %scan3A_264 = arith.constant 0 : i32
      %scan3A_265 = arith.constant 20 : i32
      %scan3A_266 = arith.addi %scan3A_264, %scan3A_265 : i32
      %scan3A_267 = arith.constant 1 : i32
      scf.for %scan3A_291 = %scan3A_264 to %scan3A_266 step %scan3A_267  : i32 {
        %mul3A_292 = arith.constant 1 : i32
        %mul3A_293 = arith.muli %scan3A_291, %mul3A_292 : i32
        %add3A_294 = arith.constant 0 : i32
        %add3A_295 = arith.addi %add3A_294, %mul3A_293 : i32
        %mul3A_296 = arith.constant 2 : i32
        %mul3A_297 = arith.muli %add3A_295, %mul3A_296 : i32
        %add3A_298 = arith.constant 1 : i32
        %add3A_299 = arith.addi %mul3A_297, %add3A_298 : i32
        %dma_start3A_300 = arith.constant 0 : i32
        %dma_start3A_301 = tpu.memref_slice %arg6[%add3A_299, %dma_start3A_300] : memref<42x80xi32, #tpu.memory_space<vmem>> -> memref<1x80xi32, #tpu.memory_space<vmem>>
        %dma_start3A_302 = tpu.memref_squeeze %dma_start3A_301 : memref<1x80xi32, #tpu.memory_space<vmem>> -> memref<80xi32, #tpu.memory_space<vmem>>
        %dma_start3A_303 = arith.constant 0 : i32
        %dma_start3A_304 = arith.constant 0 : i32
        %dma_start3A_305 = tpu.memref_slice %arg2[%dma_start3A_303, %dma_start3A_304] : memref<10000x128xf32, #tpu.memory_space<hbm>> -> memref<10000x128xf32, #tpu.memory_space<hbm>>
        tpu.enqueue_indirect_dma source(%dma_start3A_305 : memref<10000x128xf32, #tpu.memory_space<hbm>>) target(%arg9 : memref<80x128xf32, #tpu.memory_space<vmem>>) offsets(%dma_start3A_302 : memref<80xi32, #tpu.memory_space<vmem>>) semaphore(%arg13 : memref<!tpu.dma_semaphore, #tpu.memory_space<semaphore_mem>>)
        %dma_wait3A_306 = arith.constant 0 : i32
        %dma_wait3A_307 = tpu.memref_slice %arg6[%mul3A_297, %dma_wait3A_306] : memref<42x80xi32, #tpu.memory_space<vmem>> -> memref<1x80xi32, #tpu.memory_space<vmem>>
        %dma_wait3A_308 = tpu.memref_squeeze %dma_wait3A_307 : memref<1x80xi32, #tpu.memory_space<vmem>> -> memref<80xi32, #tpu.memory_space<vmem>>
        %dma_wait3A_309 = arith.constant 0 : i32
        %dma_wait3A_310 = arith.constant 0 : i32
        %dma_wait3A_311 = tpu.memref_slice %arg2[%dma_wait3A_309, %dma_wait3A_310] : memref<10000x128xf32, #tpu.memory_space<hbm>> -> memref<10000x128xf32, #tpu.memory_space<hbm>>
        tpu.wait_indirect_dma semaphore(%arg12 : memref<!tpu.dma_semaphore, #tpu.memory_space<semaphore_mem>>) src(%dma_wait3A_311 : memref<10000x128xf32, #tpu.memory_space<hbm>>) dst(%arg8 : memref<80x128xf32, #tpu.memory_space<vmem>>)
        "tpu.region"() ({
          %run_scoped3A_330 = tpu.sem_alloc : memref<!tpu.dma_semaphore, #tpu.memory_space<semaphore_mem>>
          %dma_start3A_331 = arith.constant 0 : i32
          %dma_start3A_332 = tpu.memref_slice %arg7[%mul3A_297, %dma_start3A_331] : memref<42x80xi32, #tpu.memory_space<vmem>> -> memref<1x80xi32, #tpu.memory_space<vmem>>
          %dma_start3A_333 = tpu.memref_squeeze %dma_start3A_332 : memref<1x80xi32, #tpu.memory_space<vmem>> -> memref<80xi32, #tpu.memory_space<vmem>>
          %dma_start3A_334 = arith.constant 0 : i32
          %dma_start3A_335 = arith.constant 0 : i32
          %dma_start3A_336 = tpu.memref_slice %arg11[%dma_start3A_334, %dma_start3A_335] : memref<10240x128xf32, #tpu.memory_space<vmem_shared>> -> memref<10240x128xf32, #tpu.memory_space<vmem_shared>>
          tpu.enqueue_indirect_dma source(%arg8 : memref<80x128xf32, #tpu.memory_space<vmem>>) target(%dma_start3A_336 : memref<10240x128xf32, #tpu.memory_space<vmem_shared>>) offsets(%dma_start3A_333 : memref<80xi32, #tpu.memory_space<vmem>>) semaphore(%run_scoped3A_330 : memref<!tpu.dma_semaphore, #tpu.memory_space<semaphore_mem>>) {add = true}
          %dma_wait3A_337 = arith.constant 0 : i32
          %dma_wait3A_338 = tpu.memref_slice %arg7[%mul3A_297, %dma_wait3A_337] : memref<42x80xi32, #tpu.memory_space<vmem>> -> memref<1x80xi32, #tpu.memory_space<vmem>>
          %dma_wait3A_339 = tpu.memref_squeeze %dma_wait3A_338 : memref<1x80xi32, #tpu.memory_space<vmem>> -> memref<80xi32, #tpu.memory_space<vmem>>
          %dma_wait3A_340 = arith.constant 0 : i32
          %dma_wait3A_341 = arith.constant 0 : i32
          %dma_wait3A_342 = tpu.memref_slice %arg11[%dma_wait3A_340, %dma_wait3A_341] : memref<10240x128xf32, #tpu.memory_space<vmem_shared>> -> memref<10240x128xf32, #tpu.memory_space<vmem_shared>>
          tpu.wait_indirect_dma semaphore(%run_scoped3A_330 : memref<!tpu.dma_semaphore, #tpu.memory_space<semaphore_mem>>) src(%arg8 : memref<80x128xf32, #tpu.memory_space<vmem>>) dst(%dma_wait3A_342 : memref<10240x128xf32, #tpu.memory_space<vmem_shared>>)
          tpu.yield
        }) : () -> ()
        %add3A_312 = arith.constant 2 : i32
        %add3A_313 = arith.addi %mul3A_297, %add3A_312 : i32
        %dma_start3A_314 = arith.constant 0 : i32
        %dma_start3A_315 = tpu.memref_slice %arg6[%add3A_313, %dma_start3A_314] : memref<42x80xi32, #tpu.memory_space<vmem>> -> memref<1x80xi32, #tpu.memory_space<vmem>>
        %dma_start3A_316 = tpu.memref_squeeze %dma_start3A_315 : memref<1x80xi32, #tpu.memory_space<vmem>> -> memref<80xi32, #tpu.memory_space<vmem>>
        %dma_start3A_317 = arith.constant 0 : i32
        %dma_start3A_318 = arith.constant 0 : i32
        %dma_start3A_319 = tpu.memref_slice %arg2[%dma_start3A_317, %dma_start3A_318] : memref<10000x128xf32, #tpu.memory_space<hbm>> -> memref<10000x128xf32, #tpu.memory_space<hbm>>
        tpu.enqueue_indirect_dma source(%dma_start3A_319 : memref<10000x128xf32, #tpu.memory_space<hbm>>) target(%arg8 : memref<80x128xf32, #tpu.memory_space<vmem>>) offsets(%dma_start3A_316 : memref<80xi32, #tpu.memory_space<vmem>>) semaphore(%arg12 : memref<!tpu.dma_semaphore, #tpu.memory_space<semaphore_mem>>)
        %add3A_320 = arith.constant 1 : i32
        %add3A_321 = arith.addi %mul3A_297, %add3A_320 : i32
        %dma_wait3A_322 = arith.constant 0 : i32
        %dma_wait3A_323 = tpu.memref_slice %arg6[%add3A_321, %dma_wait3A_322] : memref<42x80xi32, #tpu.memory_space<vmem>> -> memref<1x80xi32, #tpu.memory_space<vmem>>
        %dma_wait3A_324 = tpu.memref_squeeze %dma_wait3A_323 : memref<1x80xi32, #tpu.memory_space<vmem>> -> memref<80xi32, #tpu.memory_space<vmem>>
        %dma_wait3A_325 = arith.constant 0 : i32
        %dma_wait3A_326 = arith.constant 0 : i32
        %dma_wait3A_327 = tpu.memref_slice %arg2[%dma_wait3A_325, %dma_wait3A_326] : memref<10000x128xf32, #tpu.memory_space<hbm>> -> memref<10000x128xf32, #tpu.memory_space<hbm>>
        tpu.wait_indirect_dma semaphore(%arg13 : memref<!tpu.dma_semaphore, #tpu.memory_space<semaphore_mem>>) src(%dma_wait3A_327 : memref<10000x128xf32, #tpu.memory_space<hbm>>) dst(%arg9 : memref<80x128xf32, #tpu.memory_space<vmem>>)
        %add3A_328 = arith.constant 1 : i32
        %add3A_329 = arith.addi %mul3A_297, %add3A_328 : i32
        "tpu.region"() ({
          %run_scoped3A_330 = tpu.sem_alloc : memref<!tpu.dma_semaphore, #tpu.memory_space<semaphore_mem>>
          %dma_start3A_331 = arith.constant 0 : i32
          %dma_start3A_332 = tpu.memref_slice %arg7[%add3A_329, %dma_start3A_331] : memref<42x80xi32, #tpu.memory_space<vmem>> -> memref<1x80xi32, #tpu.memory_space<vmem>>
          %dma_start3A_333 = tpu.memref_squeeze %dma_start3A_332 : memref<1x80xi32, #tpu.memory_space<vmem>> -> memref<80xi32, #tpu.memory_space<vmem>>
          %dma_start3A_334 = arith.constant 0 : i32
          %dma_start3A_335 = arith.constant 0 : i32
          %dma_start3A_336 = tpu.memref_slice %arg11[%dma_start3A_334, %dma_start3A_335] : memref<10240x128xf32, #tpu.memory_space<vmem_shared>> -> memref<10240x128xf32, #tpu.memory_space<vmem_shared>>
          tpu.enqueue_indirect_dma source(%arg9 : memref<80x128xf32, #tpu.memory_space<vmem>>) target(%dma_start3A_336 : memref<10240x128xf32, #tpu.memory_space<vmem_shared>>) offsets(%dma_start3A_333 : memref<80xi32, #tpu.memory_space<vmem>>) semaphore(%run_scoped3A_330 : memref<!tpu.dma_semaphore, #tpu.memory_space<semaphore_mem>>) {add = true}
          %dma_wait3A_337 = arith.constant 0 : i32
          %dma_wait3A_338 = tpu.memref_slice %arg7[%add3A_329, %dma_wait3A_337] : memref<42x80xi32, #tpu.memory_space<vmem>> -> memref<1x80xi32, #tpu.memory_space<vmem>>
          %dma_wait3A_339 = tpu.memref_squeeze %dma_wait3A_338 : memref<1x80xi32, #tpu.memory_space<vmem>> -> memref<80xi32, #tpu.memory_space<vmem>>
          %dma_wait3A_340 = arith.constant 0 : i32
          %dma_wait3A_341 = arith.constant 0 : i32
          %dma_wait3A_342 = tpu.memref_slice %arg11[%dma_wait3A_340, %dma_wait3A_341] : memref<10240x128xf32, #tpu.memory_space<vmem_shared>> -> memref<10240x128xf32, #tpu.memory_space<vmem_shared>>
          tpu.wait_indirect_dma semaphore(%run_scoped3A_330 : memref<!tpu.dma_semaphore, #tpu.memory_space<semaphore_mem>>) src(%arg9 : memref<80x128xf32, #tpu.memory_space<vmem>>) dst(%dma_wait3A_342 : memref<10240x128xf32, #tpu.memory_space<vmem_shared>>)
          tpu.yield
        }) : () -> ()
      }
      %scan3A_268 = arith.constant 20 : i32
      %dma_start3A_269 = arith.constant 41 : i32
      %dma_start3A_270 = arith.constant 0 : i32
      %dma_start3A_271 = tpu.memref_slice %arg6[%dma_start3A_269, %dma_start3A_270] : memref<42x80xi32, #tpu.memory_space<vmem>> -> memref<1x80xi32, #tpu.memory_space<vmem>>
      %dma_start3A_272 = tpu.memref_squeeze %dma_start3A_271 : memref<1x80xi32, #tpu.memory_space<vmem>> -> memref<80xi32, #tpu.memory_space<vmem>>
      %dma_start3A_273 = arith.constant 0 : i32
      %dma_start3A_274 = arith.constant 0 : i32
      %dma_start3A_275 = tpu.memref_slice %arg2[%dma_start3A_273, %dma_start3A_274] : memref<10000x128xf32, #tpu.memory_space<hbm>> -> memref<10000x128xf32, #tpu.memory_space<hbm>>
      tpu.enqueue_indirect_dma source(%dma_start3A_275 : memref<10000x128xf32, #tpu.memory_space<hbm>>) target(%arg9 : memref<80x128xf32, #tpu.memory_space<vmem>>) offsets(%dma_start3A_272 : memref<80xi32, #tpu.memory_space<vmem>>) semaphore(%arg13 : memref<!tpu.dma_semaphore, #tpu.memory_space<semaphore_mem>>)
      %dma_wait3A_276 = arith.constant 40 : i32
      %dma_wait3A_277 = arith.constant 0 : i32
      %dma_wait3A_278 = tpu.memref_slice %arg6[%dma_wait3A_276, %dma_wait3A_277] : memref<42x80xi32, #tpu.memory_space<vmem>> -> memref<1x80xi32, #tpu.memory_space<vmem>>
      %dma_wait3A_279 = tpu.memref_squeeze %dma_wait3A_278 : memref<1x80xi32, #tpu.memory_space<vmem>> -> memref<80xi32, #tpu.memory_space<vmem>>
      %dma_wait3A_280 = arith.constant 0 : i32
      %dma_wait3A_281 = arith.constant 0 : i32
      %dma_wait3A_282 = tpu.memref_slice %arg2[%dma_wait3A_280, %dma_wait3A_281] : memref<10000x128xf32, #tpu.memory_space<hbm>> -> memref<10000x128xf32, #tpu.memory_space<hbm>>
      tpu.wait_indirect_dma semaphore(%arg12 : memref<!tpu.dma_semaphore, #tpu.memory_space<semaphore_mem>>) src(%dma_wait3A_282 : memref<10000x128xf32, #tpu.memory_space<hbm>>) dst(%arg8 : memref<80x128xf32, #tpu.memory_space<vmem>>)
      %run_scoped3A = arith.constant 40 : i32
      "tpu.region"() ({
        %run_scoped3A_291 = tpu.sem_alloc : memref<!tpu.dma_semaphore, #tpu.memory_space<semaphore_mem>>
        %dma_start3A_292 = arith.constant 0 : i32
        %dma_start3A_293 = tpu.memref_slice %arg7[%run_scoped3A, %dma_start3A_292] : memref<42x80xi32, #tpu.memory_space<vmem>> -> memref<1x80xi32, #tpu.memory_space<vmem>>
        %dma_start3A_294 = tpu.memref_squeeze %dma_start3A_293 : memref<1x80xi32, #tpu.memory_space<vmem>> -> memref<80xi32, #tpu.memory_space<vmem>>
        %dma_start3A_295 = arith.constant 0 : i32
        %dma_start3A_296 = arith.constant 0 : i32
        %dma_start3A_297 = tpu.memref_slice %arg11[%dma_start3A_295, %dma_start3A_296] : memref<10240x128xf32, #tpu.memory_space<vmem_shared>> -> memref<10240x128xf32, #tpu.memory_space<vmem_shared>>
        tpu.enqueue_indirect_dma source(%arg8 : memref<80x128xf32, #tpu.memory_space<vmem>>) target(%dma_start3A_297 : memref<10240x128xf32, #tpu.memory_space<vmem_shared>>) offsets(%dma_start3A_294 : memref<80xi32, #tpu.memory_space<vmem>>) semaphore(%run_scoped3A_291 : memref<!tpu.dma_semaphore, #tpu.memory_space<semaphore_mem>>) {add = true}
        %dma_wait3A_298 = arith.constant 0 : i32
        %dma_wait3A_299 = tpu.memref_slice %arg7[%run_scoped3A, %dma_wait3A_298] : memref<42x80xi32, #tpu.memory_space<vmem>> -> memref<1x80xi32, #tpu.memory_space<vmem>>
        %dma_wait3A_300 = tpu.memref_squeeze %dma_wait3A_299 : memref<1x80xi32, #tpu.memory_space<vmem>> -> memref<80xi32, #tpu.memory_space<vmem>>
        %dma_wait3A_301 = arith.constant 0 : i32
        %dma_wait3A_302 = arith.constant 0 : i32
        %dma_wait3A_303 = tpu.memref_slice %arg11[%dma_wait3A_301, %dma_wait3A_302] : memref<10240x128xf32, #tpu.memory_space<vmem_shared>> -> memref<10240x128xf32, #tpu.memory_space<vmem_shared>>
        tpu.wait_indirect_dma semaphore(%run_scoped3A_291 : memref<!tpu.dma_semaphore, #tpu.memory_space<semaphore_mem>>) src(%arg8 : memref<80x128xf32, #tpu.memory_space<vmem>>) dst(%dma_wait3A_303 : memref<10240x128xf32, #tpu.memory_space<vmem_shared>>)
        tpu.yield
      }) : () -> ()
      %dma_wait3A_283 = arith.constant 41 : i32
      %dma_wait3A_284 = arith.constant 0 : i32
      %dma_wait3A_285 = tpu.memref_slice %arg6[%dma_wait3A_283, %dma_wait3A_284] : memref<42x80xi32, #tpu.memory_space<vmem>> -> memref<1x80xi32, #tpu.memory_space<vmem>>
      %dma_wait3A_286 = tpu.memref_squeeze %dma_wait3A_285 : memref<1x80xi32, #tpu.memory_space<vmem>> -> memref<80xi32, #tpu.memory_space<vmem>>
      %dma_wait3A_287 = arith.constant 0 : i32
      %dma_wait3A_288 = arith.constant 0 : i32
      %dma_wait3A_289 = tpu.memref_slice %arg2[%dma_wait3A_287, %dma_wait3A_288] : memref<10000x128xf32, #tpu.memory_space<hbm>> -> memref<10000x128xf32, #tpu.memory_space<hbm>>
      tpu.wait_indirect_dma semaphore(%arg13 : memref<!tpu.dma_semaphore, #tpu.memory_space<semaphore_mem>>) src(%dma_wait3A_289 : memref<10000x128xf32, #tpu.memory_space<hbm>>) dst(%arg9 : memref<80x128xf32, #tpu.memory_space<vmem>>)
      %run_scoped3A_290 = arith.constant 41 : i32
      "tpu.region"() ({
        %run_scoped3A_291 = tpu.sem_alloc : memref<!tpu.dma_semaphore, #tpu.memory_space<semaphore_mem>>
        %dma_start3A_292 = arith.constant 0 : i32
        %dma_start3A_293 = tpu.memref_slice %arg7[%run_scoped3A_290, %dma_start3A_292] : memref<42x80xi32, #tpu.memory_space<vmem>> -> memref<1x80xi32, #tpu.memory_space<vmem>>
        %dma_start3A_294 = tpu.memref_squeeze %dma_start3A_293 : memref<1x80xi32, #tpu.memory_space<vmem>> -> memref<80xi32, #tpu.memory_space<vmem>>
        %dma_start3A_295 = arith.constant 0 : i32
        %dma_start3A_296 = arith.constant 0 : i32
        %dma_start3A_297 = tpu.memref_slice %arg11[%dma_start3A_295, %dma_start3A_296] : memref<10240x128xf32, #tpu.memory_space<vmem_shared>> -> memref<10240x128xf32, #tpu.memory_space<vmem_shared>>
        tpu.enqueue_indirect_dma source(%arg9 : memref<80x128xf32, #tpu.memory_space<vmem>>) target(%dma_start3A_297 : memref<10240x128xf32, #tpu.memory_space<vmem_shared>>) offsets(%dma_start3A_294 : memref<80xi32, #tpu.memory_space<vmem>>) semaphore(%run_scoped3A_291 : memref<!tpu.dma_semaphore, #tpu.memory_space<semaphore_mem>>) {add = true}
        %dma_wait3A_298 = arith.constant 0 : i32
        %dma_wait3A_299 = tpu.memref_slice %arg7[%run_scoped3A_290, %dma_wait3A_298] : memref<42x80xi32, #tpu.memory_space<vmem>> -> memref<1x80xi32, #tpu.memory_space<vmem>>
        %dma_wait3A_300 = tpu.memref_squeeze %dma_wait3A_299 : memref<1x80xi32, #tpu.memory_space<vmem>> -> memref<80xi32, #tpu.memory_space<vmem>>
        %dma_wait3A_301 = arith.constant 0 : i32
        %dma_wait3A_302 = arith.constant 0 : i32
        %dma_wait3A_303 = tpu.memref_slice %arg11[%dma_wait3A_301, %dma_wait3A_302] : memref<10240x128xf32, #tpu.memory_space<vmem_shared>> -> memref<10240x128xf32, #tpu.memory_space<vmem_shared>>
        tpu.wait_indirect_dma semaphore(%run_scoped3A_291 : memref<!tpu.dma_semaphore, #tpu.memory_space<semaphore_mem>>) src(%arg9 : memref<80x128xf32, #tpu.memory_space<vmem>>) dst(%dma_wait3A_303 : memref<10240x128xf32, #tpu.memory_space<vmem_shared>>)
        tpu.yield
      }) : () -> ()
    }
    %scan3A_250 = arith.constant 3 : i32
    %barrier3A_251 = arith.constant 0 : index
    tpu.barrier barrier_id(%barrier3A_251)
    "tpu.region"() ({
      %run_scoped3A = tpu.sem_alloc : memref<!tpu.dma_semaphore, #tpu.memory_space<semaphore_mem>>
      %dma_start3A_252 = arith.constant 0 : i32
      %dma_start3A_253 = tpu.memref_slice %arg5[%arg0, %mul3A_7, %dma_start3A_252] : memref<2x10240x128xf32, #tpu.memory_space<hbm>> -> memref<1x640x128xf32, #tpu.memory_space<hbm>>
      %dma_start3A_254 = tpu.memref_squeeze %dma_start3A_253 : memref<1x640x128xf32, #tpu.memory_space<hbm>> -> memref<640x128xf32, #tpu.memory_space<hbm>>
      %dma_start3A_255 = arith.constant 0 : i32
      %dma_start3A_256 = tpu.memref_slice %arg11[%mul3A_7, %dma_start3A_255] : memref<10240x128xf32, #tpu.memory_space<vmem_shared>> -> memref<640x128xf32, #tpu.memory_space<vmem_shared>>
      tpu.enqueue_dma source(%dma_start3A_256 : memref<640x128xf32, #tpu.memory_space<vmem_shared>>) target(%dma_start3A_254 : memref<640x128xf32, #tpu.memory_space<hbm>>) target_semaphore(%run_scoped3A : memref<!tpu.dma_semaphore, #tpu.memory_space<semaphore_mem>>)
      %dma_wait3A_257 = arith.constant 0 : i32
      %dma_wait3A_258 = tpu.memref_slice %arg5[%arg0, %mul3A_7, %dma_wait3A_257] : memref<2x10240x128xf32, #tpu.memory_space<hbm>> -> memref<1x640x128xf32, #tpu.memory_space<hbm>>
      %dma_wait3A_259 = tpu.memref_squeeze %dma_wait3A_258 : memref<1x640x128xf32, #tpu.memory_space<hbm>> -> memref<640x128xf32, #tpu.memory_space<hbm>>
      %dma_wait3A_260 = arith.constant 0 : i32
      %dma_wait3A_261 = tpu.memref_slice %arg11[%mul3A_7, %dma_wait3A_260] : memref<10240x128xf32, #tpu.memory_space<vmem_shared>> -> memref<640x128xf32, #tpu.memory_space<vmem_shared>>
      tpu.wait_dma2 semaphore(%run_scoped3A : memref<!tpu.dma_semaphore, #tpu.memory_space<semaphore_mem>>) src(%dma_wait3A_261 : memref<640x128xf32, #tpu.memory_space<vmem_shared>>) dst(%dma_wait3A_259 : memref<640x128xf32, #tpu.memory_space<hbm>>)
      tpu.yield
    }) : () -> ()
    return
  }
}

module attributes {stable_mosaic.version = 14 : i64} {
  func.func @_dense_body(%arg0: i32, %arg1: memref<5000x128xf32, #tpu.memory_space<vmem>>, %arg2: memref<2x5000x128xf32, #tpu.memory_space<vmem>>, %arg3: memref<5000x1xf32, #tpu.memory_space<vmem>>, %arg4: memref<1x128xf32, #tpu.memory_space<vmem>>, %arg5: memref<1x128xf32, #tpu.memory_space<vmem>>, %arg6: memref<1x128xf32, #tpu.memory_space<vmem>>, %arg7: memref<1x128xf32, #tpu.memory_space<vmem>>, %arg8: memref<128x256xf32, #tpu.memory_space<vmem>>, %arg9: memref<128x256xf32, #tpu.memory_space<vmem>>, %arg10: memref<1x256xf32, #tpu.memory_space<vmem>>, %arg11: memref<256x128xf32, #tpu.memory_space<vmem>>, %arg12: memref<1x128xf32, #tpu.memory_space<vmem>>, %arg13: memref<5000x128xf32, #tpu.memory_space<vmem>>) attributes {dimension_semantics = [#tpu.dimension_semantics<arbitrary>], iteration_bounds = array<i64: 2>, scalar_prefetch = 0 : i64, scratch_operands = 0 : i64, tpu.core_type = #tpu.core_type<tc>, window_params = [{transform_indices = @transform_0, window_bounds = array<i64: 5000, 128>}, {transform_indices = @transform_1, window_bounds = array<i64: 2, 5000, 128>}, {transform_indices = @transform_2, window_bounds = array<i64: 5000, 1>}, {pipeline_mode = #tpu.pipeline_mode<synchronous>, transform_indices = @transform_3, window_bounds = array<i64: 1, 128>}, {pipeline_mode = #tpu.pipeline_mode<synchronous>, transform_indices = @transform_4, window_bounds = array<i64: 1, 128>}, {pipeline_mode = #tpu.pipeline_mode<synchronous>, transform_indices = @transform_5, window_bounds = array<i64: 1, 128>}, {pipeline_mode = #tpu.pipeline_mode<synchronous>, transform_indices = @transform_6, window_bounds = array<i64: 1, 128>}, {pipeline_mode = #tpu.pipeline_mode<synchronous>, transform_indices = @transform_7, window_bounds = array<i64: 128, 256>}, {pipeline_mode = #tpu.pipeline_mode<synchronous>, transform_indices = @transform_8, window_bounds = array<i64: 128, 256>}, {pipeline_mode = #tpu.pipeline_mode<synchronous>, transform_indices = @transform_9, window_bounds = array<i64: 1, 256>}, {pipeline_mode = #tpu.pipeline_mode<synchronous>, transform_indices = @transform_10, window_bounds = array<i64: 256, 128>}, {pipeline_mode = #tpu.pipeline_mode<synchronous>, transform_indices = @transform_11, window_bounds = array<i64: 1, 128>}, {transform_indices = @transform_12, window_bounds = array<i64: 5000, 128>}]} {
    %get3A = arith.constant 0 : index
    %get3A_0 = arith.constant 0 : index
    %get3A_1 = vector.load %arg1[%get3A, %get3A_0] : memref<5000x128xf32, #tpu.memory_space<vmem>>, vector<5000x128xf32>
    %get3A_2 = arith.constant 0 : index
    %get3A_3 = arith.constant 0 : index
    %get3A_4 = arith.constant 0 : index
    %get3A_5 = vector.load %arg2[%get3A_2, %get3A_3, %get3A_4] : memref<2x5000x128xf32, #tpu.memory_space<vmem>>, vector<1x5000x128xf32>
    %get3A_6 = vector.shape_cast %get3A_5 : vector<1x5000x128xf32> to vector<5000x128xf32>
    %get3A_7 = arith.constant 1 : index
    %get3A_8 = arith.constant 0 : index
    %get3A_9 = arith.constant 0 : index
    %get3A_10 = vector.load %arg2[%get3A_7, %get3A_8, %get3A_9] : memref<2x5000x128xf32, #tpu.memory_space<vmem>>, vector<1x5000x128xf32>
    %get3A_11 = vector.shape_cast %get3A_10 : vector<1x5000x128xf32> to vector<5000x128xf32>
    %add3A = arith.addf %get3A_6, %get3A_11 : vector<5000x128xf32>
    %get3A_12 = arith.constant 0 : index
    %get3A_13 = arith.constant 0 : index
    %get3A_14 = vector.load %arg3[%get3A_12, %get3A_13] : memref<5000x1xf32, #tpu.memory_space<vmem>>, vector<5000x1xf32>
    %jit3A = arith.constant 1.000000e+00 : f32
    %max3A = vector.broadcast %jit3A : f32 to vector<5000x1xf32>
    %max3A_15 = arith.maximumf %max3A, %get3A_14 : vector<5000x1xf32>
    %div3A = arith.constant 1.000000e+00 : f32
    %div3A_16 = vector.broadcast %div3A : f32 to vector<5000x1xf32>
    %div3A_17 = arith.divf %div3A_16, %max3A_15 : vector<5000x1xf32>
    %mul3A = vector.broadcast %div3A_17 : vector<5000x1xf32> to vector<5000x128xf32>
    %mul3A_18 = arith.mulf %add3A, %mul3A : vector<5000x128xf32>
    %get3A_19 = arith.constant 0 : index
    %get3A_20 = arith.constant 0 : index
    %get3A_21 = vector.load %arg4[%get3A_19, %get3A_20] : memref<1x128xf32, #tpu.memory_space<vmem>>, vector<1x128xf32>
    %get3A_22 = arith.constant 0 : index
    %get3A_23 = arith.constant 0 : index
    %get3A_24 = vector.load %arg5[%get3A_22, %get3A_23] : memref<1x128xf32, #tpu.memory_space<vmem>>, vector<1x128xf32>
    %reduce_sum3A = arith.constant dense<0.000000e+00> : vector<5000xf32>
    %reduce_sum3A_25 = vector.multi_reduction <add>, %get3A_1, %reduce_sum3A [1] : vector<5000x128xf32> to vector<5000xf32>
    %broadcast_in_dim3A = vector.shape_cast %reduce_sum3A_25 : vector<5000xf32> to vector<5000x1xf32>
    %div3A_26 = arith.constant 1.280000e+02 : f32
    %div3A_27 = vector.broadcast %div3A_26 : f32 to vector<5000x1xf32>
    %div3A_28 = arith.divf %broadcast_in_dim3A, %div3A_27 : vector<5000x1xf32>
    %sub3A = vector.broadcast %div3A_28 : vector<5000x1xf32> to vector<5000x128xf32>
    %sub3A_29 = arith.subf %get3A_1, %sub3A : vector<5000x128xf32>
    %mul3A_30 = arith.mulf %sub3A_29, %sub3A_29 : vector<5000x128xf32>
    %reduce_sum3A_31 = arith.constant dense<0.000000e+00> : vector<5000xf32>
    %reduce_sum3A_32 = vector.multi_reduction <add>, %mul3A_30, %reduce_sum3A_31 [1] : vector<5000x128xf32> to vector<5000xf32>
    %broadcast_in_dim3A_33 = vector.shape_cast %reduce_sum3A_32 : vector<5000xf32> to vector<5000x1xf32>
    %div3A_34 = arith.constant 1.280000e+02 : f32
    %div3A_35 = vector.broadcast %div3A_34 : f32 to vector<5000x1xf32>
    %div3A_36 = arith.divf %broadcast_in_dim3A_33, %div3A_35 : vector<5000x1xf32>
    %add3A_37 = arith.constant 9.99999974E-6 : f32
    %add3A_38 = vector.broadcast %add3A_37 : f32 to vector<5000x1xf32>
    %add3A_39 = arith.addf %div3A_36, %add3A_38 : vector<5000x1xf32>
    %rsqrt3A = math.rsqrt %add3A_39 : vector<5000x1xf32>
    %mul3A_40 = vector.broadcast %rsqrt3A : vector<5000x1xf32> to vector<5000x128xf32>
    %mul3A_41 = arith.mulf %sub3A_29, %mul3A_40 : vector<5000x128xf32>
    %mul3A_42 = vector.broadcast %get3A_21 : vector<1x128xf32> to vector<5000x128xf32>
    %mul3A_43 = arith.mulf %mul3A_41, %mul3A_42 : vector<5000x128xf32>
    %add3A_44 = vector.broadcast %get3A_24 : vector<1x128xf32> to vector<5000x128xf32>
    %add3A_45 = arith.addf %mul3A_43, %add3A_44 : vector<5000x128xf32>
    %get3A_46 = arith.constant 0 : index
    %get3A_47 = arith.constant 0 : index
    %get3A_48 = vector.load %arg6[%get3A_46, %get3A_47] : memref<1x128xf32, #tpu.memory_space<vmem>>, vector<1x128xf32>
    %get3A_49 = arith.constant 0 : index
    %get3A_50 = arith.constant 0 : index
    %get3A_51 = vector.load %arg7[%get3A_49, %get3A_50] : memref<1x128xf32, #tpu.memory_space<vmem>>, vector<1x128xf32>
    %reduce_sum3A_52 = arith.constant dense<0.000000e+00> : vector<5000xf32>
    %reduce_sum3A_53 = vector.multi_reduction <add>, %mul3A_18, %reduce_sum3A_52 [1] : vector<5000x128xf32> to vector<5000xf32>
    %broadcast_in_dim3A_54 = vector.shape_cast %reduce_sum3A_53 : vector<5000xf32> to vector<5000x1xf32>
    %div3A_55 = arith.constant 1.280000e+02 : f32
    %div3A_56 = vector.broadcast %div3A_55 : f32 to vector<5000x1xf32>
    %div3A_57 = arith.divf %broadcast_in_dim3A_54, %div3A_56 : vector<5000x1xf32>
    %sub3A_58 = vector.broadcast %div3A_57 : vector<5000x1xf32> to vector<5000x128xf32>
    %sub3A_59 = arith.subf %mul3A_18, %sub3A_58 : vector<5000x128xf32>
    %mul3A_60 = arith.mulf %sub3A_59, %sub3A_59 : vector<5000x128xf32>
    %reduce_sum3A_61 = arith.constant dense<0.000000e+00> : vector<5000xf32>
    %reduce_sum3A_62 = vector.multi_reduction <add>, %mul3A_60, %reduce_sum3A_61 [1] : vector<5000x128xf32> to vector<5000xf32>
    %broadcast_in_dim3A_63 = vector.shape_cast %reduce_sum3A_62 : vector<5000xf32> to vector<5000x1xf32>
    %div3A_64 = arith.constant 1.280000e+02 : f32
    %div3A_65 = vector.broadcast %div3A_64 : f32 to vector<5000x1xf32>
    %div3A_66 = arith.divf %broadcast_in_dim3A_63, %div3A_65 : vector<5000x1xf32>
    %add3A_67 = arith.constant 9.99999974E-6 : f32
    %add3A_68 = vector.broadcast %add3A_67 : f32 to vector<5000x1xf32>
    %add3A_69 = arith.addf %div3A_66, %add3A_68 : vector<5000x1xf32>
    %rsqrt3A_70 = math.rsqrt %add3A_69 : vector<5000x1xf32>
    %mul3A_71 = vector.broadcast %rsqrt3A_70 : vector<5000x1xf32> to vector<5000x128xf32>
    %mul3A_72 = arith.mulf %sub3A_59, %mul3A_71 : vector<5000x128xf32>
    %mul3A_73 = vector.broadcast %get3A_48 : vector<1x128xf32> to vector<5000x128xf32>
    %mul3A_74 = arith.mulf %mul3A_72, %mul3A_73 : vector<5000x128xf32>
    %add3A_75 = vector.broadcast %get3A_51 : vector<1x128xf32> to vector<5000x128xf32>
    %add3A_76 = arith.addf %mul3A_74, %add3A_75 : vector<5000x128xf32>
    %get3A_77 = arith.constant 0 : index
    %get3A_78 = arith.constant 0 : index
    %get3A_79 = vector.load %arg8[%get3A_77, %get3A_78] : memref<128x256xf32, #tpu.memory_space<vmem>>, vector<128x256xf32>
    %dot_general3A = arith.constant dense<0.000000e+00> : vector<5000x256xf32>
    %dot_general3A_80 = tpu.matmul %add3A_45, %get3A_79, %dot_general3A {dimension_numbers = #tpu.dot_dimension_numbers<[1], [0], [0], [1], [0, 0, 1, 1], [], []>, transpose_lhs_hint = false} : vector<5000x128xf32>, vector<128x256xf32>, vector<5000x256xf32> -> vector<5000x256xf32>
    %get3A_81 = arith.constant 0 : index
    %get3A_82 = arith.constant 0 : index
    %get3A_83 = vector.load %arg9[%get3A_81, %get3A_82] : memref<128x256xf32, #tpu.memory_space<vmem>>, vector<128x256xf32>
    %dot_general3A_84 = arith.constant dense<0.000000e+00> : vector<5000x256xf32>
    %dot_general3A_85 = tpu.matmul %add3A_76, %get3A_83, %dot_general3A_84 {dimension_numbers = #tpu.dot_dimension_numbers<[1], [0], [0], [1], [0, 0, 1, 1], [], []>, transpose_lhs_hint = false} : vector<5000x128xf32>, vector<128x256xf32>, vector<5000x256xf32> -> vector<5000x256xf32>
    %add3A_86 = arith.addf %dot_general3A_80, %dot_general3A_85 : vector<5000x256xf32>
    %get3A_87 = arith.constant 0 : index
    %get3A_88 = arith.constant 0 : index
    %get3A_89 = vector.load %arg10[%get3A_87, %get3A_88] : memref<1x256xf32, #tpu.memory_space<vmem>>, vector<1x256xf32>
    %add3A_90 = vector.broadcast %get3A_89 : vector<1x256xf32> to vector<5000x256xf32>
    %add3A_91 = arith.addf %add3A_86, %add3A_90 : vector<5000x256xf32>
    %mul3A_92 = arith.constant 5.000000e-01 : f32
    %mul3A_93 = vector.broadcast %mul3A_92 : f32 to vector<5000x256xf32>
    %mul3A_94 = arith.mulf %mul3A_93, %add3A_91 : vector<5000x256xf32>
    %mul3A_95 = arith.constant 0.707106769 : f32
    %mul3A_96 = vector.broadcast %mul3A_95 : f32 to vector<5000x256xf32>
    %mul3A_97 = arith.mulf %add3A_91, %mul3A_96 : vector<5000x256xf32>
    %erf3A = math.erf %mul3A_97 : vector<5000x256xf32>
    %add3A_98 = arith.constant 1.000000e+00 : f32
    %add3A_99 = vector.broadcast %add3A_98 : f32 to vector<5000x256xf32>
    %add3A_100 = arith.addf %add3A_99, %erf3A : vector<5000x256xf32>
    %mul3A_101 = arith.mulf %mul3A_94, %add3A_100 : vector<5000x256xf32>
    %get3A_102 = arith.constant 0 : index
    %get3A_103 = arith.constant 0 : index
    %get3A_104 = vector.load %arg11[%get3A_102, %get3A_103] : memref<256x128xf32, #tpu.memory_space<vmem>>, vector<256x128xf32>
    %dot_general3A_105 = arith.constant dense<0.000000e+00> : vector<5000x128xf32>
    %dot_general3A_106 = tpu.matmul %mul3A_101, %get3A_104, %dot_general3A_105 {dimension_numbers = #tpu.dot_dimension_numbers<[1], [0], [0], [1], [0, 0, 1, 1], [], []>, transpose_lhs_hint = false} : vector<5000x256xf32>, vector<256x128xf32>, vector<5000x128xf32> -> vector<5000x128xf32>
    %add3A_107 = arith.addf %get3A_1, %dot_general3A_106 : vector<5000x128xf32>
    %get3A_108 = arith.constant 0 : index
    %get3A_109 = arith.constant 0 : index
    %get3A_110 = vector.load %arg12[%get3A_108, %get3A_109] : memref<1x128xf32, #tpu.memory_space<vmem>>, vector<1x128xf32>
    %add3A_111 = vector.broadcast %get3A_110 : vector<1x128xf32> to vector<5000x128xf32>
    %add3A_112 = arith.addf %add3A_107, %add3A_111 : vector<5000x128xf32>
    %swap3A = arith.constant 0 : index
    %swap3A_113 = arith.constant 0 : index
    %swap3A_114 = vector.load %arg13[%swap3A, %swap3A_113] : memref<5000x128xf32, #tpu.memory_space<vmem>>, vector<5000x128xf32>
    tpu.vector_store %arg13[%swap3A, %swap3A_113], %add3A_112 {strides = array<i32>} : memref<5000x128xf32, #tpu.memory_space<vmem>>, vector<5000x128xf32>,
    return
  }
  func.func @transform_0(%arg0: i32) -> (i32, i32) {
    %c0_i32 = arith.constant 0 : i32
    %c0_i32_0 = arith.constant 0 : i32
    return %arg0, %c0_i32 : i32, i32
  }
  func.func @transform_1(%arg0: i32) -> (i32, i32, i32) {
    %c0_i32 = arith.constant 0 : i32
    %c0_i32_0 = arith.constant 0 : i32
    %c0_i32_1 = arith.constant 0 : i32
    return %c0_i32, %arg0, %c0_i32_0 : i32, i32, i32
  }
  func.func @transform_2(%arg0: i32) -> (i32, i32) {
    %c0_i32 = arith.constant 0 : i32
    %c0_i32_0 = arith.constant 0 : i32
    return %arg0, %c0_i32 : i32, i32
  }
  func.func @transform_3(%arg0: i32) -> (i32, i32) {
    %c0_i32 = arith.constant 0 : i32
    %c0_i32_0 = arith.constant 0 : i32
    %c0_i32_1 = arith.constant 0 : i32
    return %c0_i32, %c0_i32_0 : i32, i32
  }
  func.func @transform_4(%arg0: i32) -> (i32, i32) {
    %c0_i32 = arith.constant 0 : i32
    %c0_i32_0 = arith.constant 0 : i32
    %c0_i32_1 = arith.constant 0 : i32
    return %c0_i32, %c0_i32_0 : i32, i32
  }
  func.func @transform_5(%arg0: i32) -> (i32, i32) {
    %c0_i32 = arith.constant 0 : i32
    %c0_i32_0 = arith.constant 0 : i32
    %c0_i32_1 = arith.constant 0 : i32
    return %c0_i32, %c0_i32_0 : i32, i32
  }
  func.func @transform_6(%arg0: i32) -> (i32, i32) {
    %c0_i32 = arith.constant 0 : i32
    %c0_i32_0 = arith.constant 0 : i32
    %c0_i32_1 = arith.constant 0 : i32
    return %c0_i32, %c0_i32_0 : i32, i32
  }
  func.func @transform_7(%arg0: i32) -> (i32, i32) {
    %c0_i32 = arith.constant 0 : i32
    %c0_i32_0 = arith.constant 0 : i32
    %c0_i32_1 = arith.constant 0 : i32
    return %c0_i32, %c0_i32_0 : i32, i32
  }
  func.func @transform_8(%arg0: i32) -> (i32, i32) {
    %c0_i32 = arith.constant 0 : i32
    %c0_i32_0 = arith.constant 0 : i32
    %c0_i32_1 = arith.constant 0 : i32
    return %c0_i32, %c0_i32_0 : i32, i32
  }
  func.func @transform_9(%arg0: i32) -> (i32, i32) {
    %c0_i32 = arith.constant 0 : i32
    %c0_i32_0 = arith.constant 0 : i32
    %c0_i32_1 = arith.constant 0 : i32
    return %c0_i32, %c0_i32_0 : i32, i32
  }
  func.func @transform_10(%arg0: i32) -> (i32, i32) {
    %c0_i32 = arith.constant 0 : i32
    %c0_i32_0 = arith.constant 0 : i32
    %c0_i32_1 = arith.constant 0 : i32
    return %c0_i32, %c0_i32_0 : i32, i32
  }
  func.func @transform_11(%arg0: i32) -> (i32, i32) {
    %c0_i32 = arith.constant 0 : i32
    %c0_i32_0 = arith.constant 0 : i32
    %c0_i32_1 = arith.constant 0 : i32
    return %c0_i32, %c0_i32_0 : i32, i32
  }
  func.func @transform_12(%arg0: i32) -> (i32, i32) {
    %c0_i32 = arith.constant 0 : i32
    %c0_i32_0 = arith.constant 0 : i32
    return %arg0, %c0_i32 : i32, i32
  }
}

</mosaic_0001>

<sc_bundles>
// kernel: kernel.4.cloned.1.call-start
scs
__scs_entry_jumppad:
0x0: {  	(pc) =	sbr.rel $0x88, $3  }
0x1: {  	(tag) =	ssettag $0x0;
	lr =	simm.s32 $0x1  }
0x2: {  	[smem:$0x3F95] =	sst lr;
	_ =	strace $0xD0000000  }
0x3: {  	_ = 	snop  }
0x4: {  	_ = 	snop  }
0x5: {  	_ = 	snop  }
0x6: {  	_ = 	snop  }
0x7: {  	_ = 	snop  }
__scs_overlays_trampoline_lowered:
0x8: {  	[smem:$0x3FA4] =	sst s0  }
0x9: {  	[smem:$0x3FA5] =	sst s1  }
0xa: {  	[smem:$0x3FA6] =	sst s2  }
0xb: {  	[smem:$0x3FA7] =	sst s3  }
0xc: {  	[smem:$0x3FA8] =	sst s4  }
0xd: {  	[smem:$0x3FA9] =	sst s5  }
0xe: {  	[smem:$0x3FAA] =	sst s6  }
0xf: {  	[smem:$0x3FAB] =	sst s7  }
0x10: {  	[smem:$0x3FAC] =	sst s8  }
0x11: {  	[smem:$0x3FAD] =	sst s9;
	s0 =	simm.s32 @!p0 $0x0  }
0x12: {  	s1 =	sld [smem:$0x3F93];
	s0 =	simm.s32 @p0 $0x1  }
0x13: {  	[smem:$0x3FAE] =	sst s0;
	s0 =	simm.s32 @!p1 $0x0  }
0x14: {  	s2 =	sld [smem:$0x3F92];
	s0 =	simm.s32 @p1 $0x1  }
0x15: {  	[smem:$0x3FAF] =	sst s0;
	s0 =	simm.s32 @!p2 $0x0  }
0x16: {  	s3 =	sld [smem:$0x3FDB];
	s0 =	simm.s32 @p2 $0x1  }
0x17: {  	s4 =	simm.s32 $0x1BF5;
	[smem:$0x3FB1] =	sst s0  }
0x18: {  	s0 =	sld [smem:$0x3F94];
	_ =	swait.ge [sflag:s4], $0x0  }
0x19: {  	s7 =	sld [smem:$0x3F95]  }
0x1a: {  	s8 =	sadd.s32 $0xFFFFE003, lr  }
0x1b: {  	s9 =	sadd.s32 $0xFFFFFEF7, lr;
	s5 =	simm.s32 $0xFFFFFFFF;
	p2 =	slt.u32 s8, $0xFFFFF086  }
0x1c: {  	p1 =	slt.u32 s9, $0xF7A;
	s5 =	simm.s32 @!p2 $0x0  }
0x1d: {  	s5 =	simm.s32 @p1 $0x1;
	p0 =	seq.s32 s7, s2  }
0x1e: {  	s7 =	smul.u32 @!p0 $0xF7A, s2;
	p2 =	seq.s32 @!p0 s5, $0x0  }
0x1f: {  	s9 =	smul.u32 $0xF7A, s1;
	s8 =	simm.s32 @!p0 $0x1BF5;
	p2 =	por !p2, p0  }
0x20: {  	[sflag:s8] =	ssyncset.s32 @!p0 $0xFFFFF086;
	s6 =	sadd.s32 @!p0 s3, s7;
	s7 =	simm.s32 @!p0 $0x108  }
0x21: {  	s3 =	sadd.s32 s3, s9;
	s6 =	sadd.s32 @!p0 $0x88, s6;
	s7 =	simm.s32 @p2 $0x1082  }
0x22: {  	[simem:s7], [sflag:s8] =	dma.local @!p0 [hbm:s6], $0xF7A  }
0x23: {  	s9 =	sor.u32 $0xD0000000, s2;
	s6 =	simm.s32 $0x108;
	_ =	swait.ge @!p0 [sflag:s8], $0x0  }
0x24: {  	s3 =	sadd.s32 $0x88, s3;
	s6 =	simm.s32 @!p1 $0x1082;
	[sflag:s4] =	ssyncset.s32 $0xFFFFF086  }
0x25: {  	[simem:s6], [sflag:s4] =	dma.local [hbm:s3], $0xF7A  }
0x26: {  	[smem:$0x3F95] =	sst s1;
	(tag) =	ssettag s2;
	_ =	strace s9  }
0x27: {  	s1 =	sld [smem:$0x3FA5]  }
0x28: {  	s2 =	sld [smem:$0x3FA6]  }
0x29: {  	s4 =	sld [smem:$0x3FA8]  }
0x2a: {  	p0 =	seq.s32 s5, $0x0;
	s5 =	sld [smem:$0x3FA9]  }
0x2b: {  	s6 =	sld [smem:$0x3FAA]  }
0x2c: {  	s7 =	sld [smem:$0x3FAB]  }
0x2d: {  	s3 =	simm.s32 $0x108;
	s8 =	sld [smem:$0x3FAC]  }
0x2e: {  	s3 =	simm.s32 @!p0 $0x1082;
	s9 =	sld [smem:$0x3FAD]  }
0x2f: {  	lr =	sadd.s32 s0, s3;
	s0 =	sld [smem:$0x3FA4]  }
0x30: {  	s3 =	sld [smem:$0x3FA7]  }
0x31: {  	[smem:$0x3FB0] =	sst s10  }
0x32: {  	s10 =	sld [smem:$0x3FAE];
	_ =	sdelay $0x3  }
0x33: {  	p0 =	seq.s32 s10, $0x1;
	s10 =	sld [smem:$0x3FB0];
	_ =	sdelay $0x3  }
0x34: {  	[smem:$0x3FB0] =	sst s10  }
0x35: {  	s10 =	sld [smem:$0x3FAF];
	_ =	sdelay $0x3  }
0x36: {  	p1 =	seq.s32 s10, $0x1;
	s10 =	sld [smem:$0x3FB0];
	_ =	sdelay $0x3  }
0x37: {  	[smem:$0x3FB0] =	sst s10  }
0x38: {  	s10 =	sld [smem:$0x3FB1]  }
0x39: {  	_ = 	snop;
	(pc) =	sbr.ind lr, $3  }
0x3a: {  	_ = 	snop  }
0x3b: {  	_ = 	snop  }
0x3c: {  	p2 =	seq.s32 s10, $0x1;
	s10 =	sld [smem:$0x3FB0]  }
0x3d: {  	_ =	shalt  }
0x3e: {  	_ =	shalt  }
0x3f: {  	_ =	shalt  }
0x40: {  	_ =	shalt  }
0x41: {  	_ =	shalt  }
0x42: {  	_ =	shalt  }
0x43: {  	_ =	shalt  }
0x44: {  	_ =	shalt  }
0x45: {  	_ =	shalt  }
0x46: {  	_ =	shalt  }
0x47: {  	_ =	shalt  }
0x48: {  	_ =	shalt  }
0x49: {  	_ =	shalt  }
0x4a: {  	_ =	shalt  }
0x4b: {  	_ =	shalt  }
0x4c: {  	_ =	shalt  }
0x4d: {  	_ =	shalt  }
0x4e: {  	_ =	shalt  }
0x4f: {  	_ =	shalt  }
0x50: {  	_ =	shalt  }
0x51: {  	_ =	shalt  }
0x52: {  	_ =	shalt  }
0x53: {  	_ =	shalt  }
0x54: {  	_ =	shalt  }
0x55: {  	_ =	shalt  }
0x56: {  	_ =	shalt  }
0x57: {  	_ =	shalt  }
0x58: {  	_ =	shalt  }
0x59: {  	_ =	shalt  }
0x5a: {  	_ =	shalt  }
0x5b: {  	_ =	shalt  }
0x5c: {  	_ =	shalt  }
0x5d: {  	_ =	shalt  }
0x5e: {  	_ =	shalt  }
0x5f: {  	_ =	shalt  }
0x60: {  	_ =	shalt  }
0x61: {  	_ =	shalt  }
0x62: {  	_ =	shalt  }
0x63: {  	_ =	shalt  }
0x64: {  	_ =	shalt  }
0x65: {  	_ =	shalt  }
0x66: {  	_ =	shalt  }
0x67: {  	_ =	shalt  }
0x68: {  	_ =	shalt  }
0x69: {  	_ =	shalt  }
0x6a: {  	_ =	shalt  }
0x6b: {  	_ =	shalt  }
0x6c: {  	_ =	shalt  }
0x6d: {  	_ =	shalt  }
0x6e: {  	_ =	shalt  }
0x6f: {  	_ =	shalt  }
0x70: {  	_ =	shalt  }
0x71: {  	_ =	shalt  }
0x72: {  	_ =	shalt  }
0x73: {  	_ =	shalt  }
0x74: {  	_ =	shalt  }
0x75: {  	_ =	shalt  }
0x76: {  	_ =	shalt  }
0x77: {  	_ =	shalt  }
0x78: {  	_ =	shalt  }
0x79: {  	_ =	shalt  }
0x7a: {  	_ =	shalt  }
0x7b: {  	_ =	shalt  }
0x7c: {  	_ =	shalt  }
0x7d: {  	_ =	shalt  }
0x7e: {  	_ =	shalt  }
0x7f: {  	_ =	shalt  }
0x80: {  	_ =	shalt  }
0x81: {  	_ =	shalt  }
0x82: {  	_ =	shalt  }
0x83: {  	_ =	shalt  }
0x84: {  	_ =	shalt  }
0x85: {  	_ =	shalt  }
0x86: {  	_ =	shalt  }
0x87: {  	_ =	shalt  }
.Lfunc_end0:
.L_simem_size_0:
called_computation_lowered:
.L_overlay_start_0:
0x88: {  	s2 =	sld [smem:$0x3FD9]  }
0x89: {  	s3 =	sld [smem:$0x3FFE];
	_ =	sdelay $0x1  }
0x8a: {  	s1 =	srdreg.scid  }
0x8b: {  	s0 =	sand.u32 $0x1, s1  }
0x8c: {  	s17 =	sshll.u32 s0, $0xA;
	s2 =	sadd.s32 s3, s2  }
0x8d: {  	s2 =	sadd.s32 s2, s17  }
0x8e: {  	[smem:$0x3FBC] =	sst s2  }
0x8f: {  	_ = 	snop  }
0x90: {  	s2 =	sld [smem:$0x3FC9]  }
0x91: {  	s18 =	sld [smem:$0x3FD0];
	(tm) =	ssettm $0x1  }
0x92: {  	s4 =	sld [smem:$0x3FFB];
	_ =	sdelay $0x3  }
0x93: {  	_ =	strace s4  }
0x94: {  	s4 =	sld [smem:$0x3FFC];
	_ =	sdelay $0x3  }
0x95: {  	_ =	strace s4  }
0x96: {  	s4 =	sld [smem:$0x3FFD];
	_ =	sdelay $0x3  }
0x97: {  	_ =	strace s4  }
0x98: {  	_ =	strace $0x8FFFFFFF  }
0x99: {  	s19 =	sld [smem:$0x3FDB];
	_ =	sdelay $0x1  }
0x9a: {  	s5 =	simm.s32 $_scs_section_size  }
0x9b: {  	s6 =	simm.s32 $_size__tile_overlayer_lowered;
	s7 =	simm.s32 $_tile_overlayer_lowered  }
0x9c: {  	s22 =	simm.s32 $0x1BFF;
	s21 =	sshll.u32 s7, $0x1;
	s4 =	sadd.s32 s5, s19  }
0x9d: {  	s8 =	simm.s32 $0x0;
	s20 =	sshll.u32 s6, $0x1;
	s6 =	sadd.s32 s21, s4  }
0x9e: {  	[timem:s8], [sflag:s22] =	dma.local [hbm:s6], s20  }
0x9f: {  	_ =	swait.ge [sflag:s22], s20  }
0xa0: {  	s5 =	ssub.s32 $0x0, s20;
	[sflag:s22] =	ssyncset.done $0x0  }
0xa1: {  	[sflag:s22] =	ssyncadd.s32 s5;
	_ =	sdelay $0x1  }
0xa2: {  	s23 =	simm.s32 $0x1B8B  }
0xa3: {  	_ =	swait.ge [sflag:s23], $0x1  }
0xa4: {  	[sflag:s23] =	ssyncset.done $0x0  }
0xa5: {  	s25 =	simm.s32 $0x1B8E;
	s24 =	sld [smem:$0x3FFE];
	[sflag:s23] =	ssyncadd.s32 $0xFFFFFFFF  }
0xa6: {  	s26 =	simm.s32 $execute0_lowered;
	[smem:$0x3FD2] =	sst s25  }
0xa7: {  	s6 =	sshll.u32 s26, $0x1;
	_ =	strace $0x80000046;
	[dreg:$0x1] =	wrdreg $0xFFFFFFFF  }
0xa8: {  	s28 =	simm.s32 $_size_execute0_lowered;
	s4 =	sadd.s32 s4, s6;
	[dreg:$0x0] =	wrdreg $0x0  }
0xa9: {  	s6 =	sshll.u32 s28, $0x1;
	[dreg:$0x2] =	wrdreg s4  }
0xaa: {  	[dreg:$0x3] =	wrdreg s6  }
0xab: {  	[dreg:$0x4] =	wrdreg $0xC0  }
0xac: {  	_ =	task [dreg:s8], $0x5FFFF  }
0xad: {  	[dreg:$0x1] =	wrdreg $0xFFFFFFFF  }
0xae: {  	[dreg:$0x0] =	wrdreg $0x60  }
0xaf: {  	[dreg:$0x2] =	wrdreg s2  }
0xb0: {  	[dreg:$0x3] =	wrdreg s18  }
0xb1: {  	[dreg:$0x4] =	wrdreg s24  }
0xb2: {  	[dreg:$0x5] =	wrdreg $0x90000  }
0xb3: {  	[dreg:$0x6] =	wrdreg $0x9  }
0xb4: {  	_ =	task.clear_ibuf [dreg:s8], $0x7FFFF;
	_ =	strace $0x90000046  }
0xb5: {  	s29 =	simm.s32 $0x9;
	_ =	strace $0x80000048  }
0xb6: {  	_ =	swait.ge [sflag:s29], $0x1  }
0xb7: {  	[sflag:s29] =	ssyncadd.s32 $0xFFFFFFFF  }
0xb8: {  	_ =	strace $0x90000048  }
0xb9: {  	_ =	sfence  }
0xba: {  	s30 =	sld [smem:$0x0];
	_ =	sdelay $0x2  }
0xbb: {  	s31 =	sshll.u32 s1, $0xD;
	s1 =	sshrl.u32 s1, $0x2  }
0xbc: {  	s3 =	sand.u32 $0x4000, s31;
	s1 =	sadd.s32 s1, s30  }
0xbd: {  	s0 =	sor.u32 s3, s0;
	s1 =	sshll.u32 s1, $0x11  }
0xbe: {  	s0 =	sor.u32 s1, s0  }
0xbf: {  	s0 =	sadd.s32 $0x8F2B, s0  }
0xc0: {  	[sflag:s0] =	ssyncadd.remote.s32 $0x1  }
0xc1: {  	_ =	sfence.sel $0xFFFF  }
0xc2: {  	[dreg:$0x0] =	wrdreg $0xFFFFFFFF;
	(pc) =	sbr.abs _section_cstart, $3  }
0xc3: {  	[dreg:$0x1] =	wrdreg $0xFFFFFFFF  }
0xc4: {  	_ =	task.clear_ibuf [dreg:s8], $0x2FFFF;
	_ =	strace $0x9FFFFFFF  }
0xc5: {  	(tm) =	ssettm $0x7FFFFFFF  }
tec
execute0_lowered:
.L_overlay_start_1:
0x0: {  	(tag) =	ssettag $0x1  }
0x1: {  	s1 =	srdreg.scid;
	s10 =	stileid.u32  }
0x2: {  	s0 =	rddreg [dreg:$0x0];
	s1 =	sand.u32 $0x1, s1;
	s7 =	smul.u32 $0x14000, s10  }
0x3: {  	s2 =	rddreg [dreg:$0x1];
	s6 =	smul.u32 $0x140000, s1  }
0x4: {  	s3 =	rddreg [dreg:$0x2];
	s8 =	smul.u32 $0x50000, s10  }
0x5: {  	s4 =	rddreg [dreg:$0x3];
	s6 =	sadd.s32 s7, s6  }
0x6: {  	s5 =	simm.s32 $0x0;
	s8 =	sshrl.u32 s8, $0x2;
	s7 =	sshrl.u32 s6, $0x3  }
0x7: {  	s6 =	sadd.s32 $0x2400, s3;
	s3 =	sadd.s32 s7, s3;
	s7 =	sadd.s32 s8, s4  }
0x8: {  	[smem:$0x7FF] =	sst s5;
	s8 =	sadd.s32 $0x1000, s7  }
0x9: {  	_ =	strace $0x80000047;
	s13 =	sadd.s32 $0x2000, s7;
	[dreg:$0x5] =	wrdreg s8  }
0xa: {  	s14 =	sadd.s32 $0x3000, s7;
	[dreg:$0x6] =	wrdreg s13  }
0xb: {  	s31 =	simm.s32 $0x8000;
	s15 =	sadd.s32 $0x4000, s7;
	[dreg:$0x7] =	wrdreg s14  }
0xc: {  	s11 =	simm.s32 $0x5800;
	s16 =	sadd.s32 $0x5000, s7;
	[dreg:$0x8] =	wrdreg s15  }
0xd: {  	s12 =	ssub.s32 $0x2, s1;
	s17 =	sadd.s32 $0x6000, s7;
	[dreg:$0x9] =	wrdreg s16  }
0xe: {  	s1 =	sshll.u32 s1, $0x4;
	s18 =	sadd.s32 $0x7000, s7;
	[dreg:$0xa] =	wrdreg s17  }
0xf: {  	s9 =	sshrl.u32 s12, $0x1;
	s19 =	sadd.s32 $0x8000, s7;
	[dreg:$0xb] =	wrdreg s18  }
0x10: {  	s1 =	sor.u32 s10, s1;
	s20 =	sadd.s32 $0x9000, s7;
	[dreg:$0xc] =	wrdreg s19  }
0x11: {  	s10 =	simm.s32 $0x3000;
	s21 =	sadd.s32 $0xA000, s7;
	[dreg:$0xd] =	wrdreg s20  }
0x12: {  	s9 =	ssub.s32 s12, s9;
	s22 =	sadd.s32 $0xB000, s7;
	[dreg:$0xe] =	wrdreg s21  }
0x13: {  	s12 =	simm.s32 $0x2;
	s23 =	sadd.s32 $0xC000, s7;
	[dreg:$0xf] =	wrdreg s22  }
0x14: {  	s24 =	sadd.s32 $0xD000, s7;
	s25 =	sadd.s32 $0xE000, s7;
	[dreg:$0x10] =	wrdreg s23  }
0x15: {  	s26 =	sadd.s32 $0xF000, s7;
	s28 =	sadd.s32 $0x11000, s7;
	[dreg:$0x11] =	wrdreg s24  }
0x16: {  	s29 =	sadd.s32 $0x12000, s7;
	s30 =	sadd.s32 $0x13000, s7;
	[dreg:$0x12] =	wrdreg s25  }
0x17: {  	[dreg:$0x13] =	wrdreg s26;
	s23 =	smul.u32 $0x4800, s1;
	s24 =	sadd.s32 $0x14400, s3  }
0x18: {  	s25 =	smax.u32 s9, $0x1;
	s26 =	sadd.s32 $0x10000, s7;
	s3 =	simm.s32 $0x1  }
0x19: {  	s1 =	simm.s32 $0x3;
	s8 =	simm.s32 $0x1800;
	s9 =	simm.s32 $0x50  }
0x1a: {  	v0 =	vimm.f32 $0.0e+00;
	s13 =	simm.s32 $0x1480;
	s14 =	simm.s32 $0x2C00;
	s15 =	simm.s32 $0x2C80  }
.LBB2_1:
0x1b: {  	s16 =	simm.s32 $0x0;
	s17 =	simm.s32 $0x200  }
.LBB2_2:
0x1c: {  	p0 =	sne.s32 s17, $0x3E00;
	[tilespmem:s16+$0x8070] =	vst v0  }
0x1d: {  	[tilespmem:s16+$0x8000] =	vst v0  }
0x1e: {  	[tilespmem:s16+$0x8010] =	vst v0  }
.Ltmp0:
0x1f: {  	[tilespmem:s16+$0x8020] =	vst v0;
	(pc) =	sbr.rel @p0 .LBB2_2-.Ltmp0, $4  }
0x20: {  	[tilespmem:s16+$0x8030] =	vst v0  }
0x21: {  	[tilespmem:s16+$0x8040] =	vst v0  }
0x22: {  	[tilespmem:s16+$0x8050] =	vst v0  }
0x23: {  	[tilespmem:s16+$0x8060] =	vst v0;
	s16 =	sshra.s32 s17, $0x2;
	s17 =	sadd.s32 $0x200, s17  }
0x24: {  	[tilespmem:s16+$0x8070] =	vst v0  }
0x25: {  	[tilespmem:s16+$0x8000] =	vst v0  }
0x26: {  	[tilespmem:s16+$0x8010] =	vst v0  }
0x27: {  	[tilespmem:s16+$0x8020] =	vst v0  }
0x28: {  	[tilespmem:s16+$0x8030] =	vst v0  }
0x29: {  	[tilespmem:s16+$0x8040] =	vst v0  }
0x2a: {  	[tilespmem:s16+$0x8050] =	vst v0  }
0x2b: {  	[tilespmem:s16+$0x8060] =	vst v0  }
0x2c: {  	[spmem:s7] =	stream.linear.scatter [tilespmem:s31], [sflag:$0x1], $0x1000, $0x38;
	[tilespmem:$0x1D000] =	vst v63  }
0x2d: {  	s20 =	rddreg [dreg:$0x5]  }
0x2e: {  	[spmem:s20] =	stream.linear.scatter [tilespmem:s31], [sflag:$0x1], $0x1000, $0x38;
	[tilespmem:$0x1D000] =	vst v63  }
0x2f: {  	s21 =	rddreg [dreg:$0x6]  }
0x30: {  	[spmem:s21] =	stream.linear.scatter [tilespmem:s31], [sflag:$0x1], $0x1000, $0x38;
	[tilespmem:$0x1D000] =	vst v63  }
0x31: {  	s22 =	rddreg [dreg:$0x7]  }
0x32: {  	[spmem:s22] =	stream.linear.scatter [tilespmem:s31], [sflag:$0x1], $0x1000, $0x38;
	[tilespmem:$0x1D000] =	vst v63  }
0x33: {  	s17 =	rddreg [dreg:$0x8]  }
0x34: {  	[spmem:s17] =	stream.linear.scatter [tilespmem:s31], [sflag:$0x1], $0x1000, $0x38;
	[tilespmem:$0x1D000] =	vst v63  }
0x35: {  	s18 =	rddreg [dreg:$0x9]  }
0x36: {  	[spmem:s18] =	stream.linear.scatter [tilespmem:s31], [sflag:$0x1], $0x1000, $0x38;
	[tilespmem:$0x1D000] =	vst v63  }
0x37: {  	s19 =	rddreg [dreg:$0xa]  }
0x38: {  	[spmem:s19] =	stream.linear.scatter [tilespmem:s31], [sflag:$0x1], $0x1000, $0x38;
	[tilespmem:$0x1D000] =	vst v63  }
0x39: {  	s20 =	rddreg [dreg:$0xb]  }
0x3a: {  	[spmem:s20] =	stream.linear.scatter [tilespmem:s31], [sflag:$0x1], $0x1000, $0x38;
	[tilespmem:$0x1D000] =	vst v63  }
0x3b: {  	s21 =	rddreg [dreg:$0xc]  }
0x3c: {  	[spmem:s21] =	stream.linear.scatter [tilespmem:s31], [sflag:$0x1], $0x1000, $0x38;
	[tilespmem:$0x1D000] =	vst v63  }
0x3d: {  	s22 =	rddreg [dreg:$0xd]  }
0x3e: {  	[spmem:s22] =	stream.linear.scatter [tilespmem:s31], [sflag:$0x1], $0x1000, $0x38;
	[tilespmem:$0x1D000] =	vst v63  }
0x3f: {  	s17 =	rddreg [dreg:$0xe]  }
0x40: {  	[spmem:s17] =	stream.linear.scatter [tilespmem:s31], [sflag:$0x1], $0x1000, $0x38;
	[tilespmem:$0x1D000] =	vst v63  }
0x41: {  	s18 =	rddreg [dreg:$0xf]  }
0x42: {  	[spmem:s18] =	stream.linear.scatter [tilespmem:s31], [sflag:$0x1], $0x1000, $0x38;
	[tilespmem:$0x1D000] =	vst v63  }
0x43: {  	s19 =	rddreg [dreg:$0x10]  }
0x44: {  	[spmem:s19] =	stream.linear.scatter [tilespmem:s31], [sflag:$0x1], $0x1000, $0x38;
	[tilespmem:$0x1D000] =	vst v63  }
0x45: {  	s20 =	rddreg [dreg:$0x11]  }
0x46: {  	[spmem:s20] =	stream.linear.scatter [tilespmem:s31], [sflag:$0x1], $0x1000, $0x38;
	[tilespmem:$0x1D000] =	vst v63  }
0x47: {  	s21 =	rddreg [dreg:$0x12]  }
0x48: {  	[spmem:s21] =	stream.linear.scatter [tilespmem:s31], [sflag:$0x1], $0x1000, $0x38;
	[tilespmem:$0x1D000] =	vst v63  }
0x49: {  	s22 =	rddreg [dreg:$0x13]  }
0x4a: {  	[spmem:s22] =	stream.linear.scatter [tilespmem:s31], [sflag:$0x1], $0x1000, $0x38;
	[tilespmem:$0x1D000] =	vst v63  }
0x4b: {  	_ = 	snop  }
0x4c: {  	[spmem:s26] =	stream.linear.scatter [tilespmem:s31], [sflag:$0x1], $0x1000, $0x38;
	[tilespmem:$0x1D000] =	vst v63  }
0x4d: {  	_ = 	snop  }
0x4e: {  	[spmem:s28] =	stream.linear.scatter [tilespmem:s31], [sflag:$0x1], $0x1000, $0x38;
	[tilespmem:$0x1D000] =	vst v63  }
0x4f: {  	_ = 	snop  }
0x50: {  	[spmem:s29] =	stream.linear.scatter [tilespmem:s31], [sflag:$0x1], $0x1000, $0x38;
	[tilespmem:$0x1D000] =	vst v63  }
0x51: {  	_ = 	snop  }
0x52: {  	[spmem:s30] =	stream.linear.scatter [tilespmem:s31], [sflag:$0x1], $0x1000, $0x38;
	[tilespmem:$0x1D000] =	vst v63  }
0x53: {  	_ =	swait.ge [sflag:s3], $0x1000  }
0x54: {  	[sflag:s3] =	ssyncset.done $0x0  }
0x55: {  	[sflag:s3] =	ssyncadd.s32 $0xFFFFF000  }
0x56: {  	_ =	swait.ge [sflag:s3], $0x1000  }
0x57: {  	[sflag:s3] =	ssyncset.done $0x0  }
0x58: {  	[sflag:s3] =	ssyncadd.s32 $0xFFFFF000  }
0x59: {  	_ =	swait.ge [sflag:s3], $0x1000  }
0x5a: {  	[sflag:s3] =	ssyncset.done $0x0  }
0x5b: {  	[sflag:s3] =	ssyncadd.s32 $0xFFFFF000  }
0x5c: {  	_ =	swait.ge [sflag:s3], $0x1000  }
0x5d: {  	[sflag:s3] =	ssyncset.done $0x0  }
0x5e: {  	[sflag:s3] =	ssyncadd.s32 $0xFFFFF000  }
0x5f: {  	_ =	swait.ge [sflag:s3], $0x1000  }
0x60: {  	[sflag:s3] =	ssyncset.done $0x0  }
0x61: {  	[sflag:s3] =	ssyncadd.s32 $0xFFFFF000  }
0x62: {  	_ =	swait.ge [sflag:s3], $0x1000  }
0x63: {  	[sflag:s3] =	ssyncset.done $0x0  }
0x64: {  	[sflag:s3] =	ssyncadd.s32 $0xFFFFF000  }
0x65: {  	_ =	swait.ge [sflag:s3], $0x1000  }
0x66: {  	[sflag:s3] =	ssyncset.done $0x0  }
0x67: {  	[sflag:s3] =	ssyncadd.s32 $0xFFFFF000  }
0x68: {  	_ =	swait.ge [sflag:s3], $0x1000  }
0x69: {  	[sflag:s3] =	ssyncset.done $0x0  }
0x6a: {  	[sflag:s3] =	ssyncadd.s32 $0xFFFFF000  }
0x6b: {  	_ =	swait.ge [sflag:s3], $0x1000  }
0x6c: {  	[sflag:s3] =	ssyncset.done $0x0  }
0x6d: {  	[sflag:s3] =	ssyncadd.s32 $0xFFFFF000  }
0x6e: {  	_ =	swait.ge [sflag:s3], $0x1000  }
0x6f: {  	[sflag:s3] =	ssyncset.done $0x0  }
0x70: {  	[sflag:s3] =	ssyncadd.s32 $0xFFFFF000  }
0x71: {  	_ =	swait.ge [sflag:s3], $0x1000  }
0x72: {  	[sflag:s3] =	ssyncset.done $0x0  }
0x73: {  	[sflag:s3] =	ssyncadd.s32 $0xFFFFF000  }
0x74: {  	_ =	swait.ge [sflag:s3], $0x1000  }
0x75: {  	[sflag:s3] =	ssyncset.done $0x0  }
0x76: {  	[sflag:s3] =	ssyncadd.s32 $0xFFFFF000  }
0x77: {  	_ =	swait.ge [sflag:s3], $0x1000  }
0x78: {  	[sflag:s3] =	ssyncset.done $0x0  }
0x79: {  	[sflag:s3] =	ssyncadd.s32 $0xFFFFF000  }
0x7a: {  	_ =	swait.ge [sflag:s3], $0x1000  }
0x7b: {  	[sflag:s3] =	ssyncset.done $0x0  }
0x7c: {  	[sflag:s3] =	ssyncadd.s32 $0xFFFFF000  }
0x7d: {  	_ =	swait.ge [sflag:s3], $0x1000  }
0x7e: {  	[sflag:s3] =	ssyncset.done $0x0  }
0x7f: {  	[sflag:s3] =	ssyncadd.s32 $0xFFFFF000  }
0x80: {  	_ =	swait.ge [sflag:s3], $0x1000  }
0x81: {  	[sflag:s3] =	ssyncset.done $0x0  }
0x82: {  	[sflag:s3] =	ssyncadd.s32 $0xFFFFF000  }
0x83: {  	_ =	swait.ge [sflag:s3], $0x1000  }
0x84: {  	[sflag:s3] =	ssyncset.done $0x0  }
0x85: {  	[sflag:s3] =	ssyncadd.s32 $0xFFFFF000  }
0x86: {  	_ =	swait.ge [sflag:s3], $0x1000  }
0x87: {  	[sflag:s3] =	ssyncset.done $0x0  }
0x88: {  	[sflag:s3] =	ssyncadd.s32 $0xFFFFF000  }
0x89: {  	_ =	swait.ge [sflag:s3], $0x1000  }
0x8a: {  	[sflag:s3] =	ssyncset.done $0x0  }
0x8b: {  	[sflag:s3] =	ssyncadd.s32 $0xFFFFF000  }
0x8c: {  	_ =	swait.ge [sflag:s3], $0x1000  }
0x8d: {  	[sflag:s3] =	ssyncset.done $0x0  }
0x8e: {  	[sflag:s3] =	ssyncadd.s32 $0xFFFFF000  }
0x8f: {  	s16 =	simm.s32 $0x0;
	s17 =	simm.s32 $0x0;
	[bflag:$0x0] =	sbarrier.arrive $0xFFFF  }
.LBB2_4:
0x90: {  	s18 =	smul.u32 $0x1800, s17;
	_ =	sdelay $0x1  }
0x91: {  	s18 =	sadd.s32 s23, s18  }
0x92: {  	s18 =	sshrl.u32 s18, $0x3  }
0x93: {  	s19 =	sadd.s32 s2, s18  }
0x94: {  	[tilespmem:s16], [sflag:$0x3] =	stream.linear.gather [hbm4b:s19+s16], $0x1500, $0x38;
	[tilespmem:$0x1D000] =	vst v63  }
0x95: {  	_ =	swait.ge [sflag:s1], $0x1500  }
0x96: {  	[sflag:s1] =	ssyncset.done $0x0  }
0x97: {  	s18 =	sadd.s32 s6, s18;
	[sflag:s1] =	ssyncadd.s32 $0xFFFFEB00  }
0x98: {  	[tilespmem:s8], [sflag:$0x3] =	stream.linear.gather [hbm4b:s18+s16], $0x1500, $0x38;
	[tilespmem:$0x1D000] =	vst v63  }
0x99: {  	_ =	swait.ge [sflag:s1], $0x1500  }
0x9a: {  	[sflag:s1] =	ssyncset.done $0x0  }
0x9b: {  	[sflag:s1] =	ssyncadd.s32 $0xFFFFEB00  }
0x9c: {  	[tilespmem:s10], [sflag:$0x1] =	stream.indirect.gather [hbm4b:s0+s9], $0x80, s16, s9, $0xb8;
	[tilespmem:$0x1D000] =	vst v63  }
0x9d: {  	s19 =	simm.s32 $0x80  }
0x9e: {  	[tilespmem:s11], [sflag:$0x2] =	stream.indirect.gather [hbm4b:s0+s9], $0x80, s19, s9, $0xb8;
	[tilespmem:$0x1D000] =	vst v63  }
0x9f: {  	_ =	swait.ge [sflag:s3], $0x2800  }
0xa0: {  	[sflag:s3] =	ssyncset.done $0x0  }
0xa1: {  	s20 =	simm.s32 $0x1800;
	[sflag:s3] =	ssyncadd.s32 $0xFFFFD800  }
0xa2: {  	[spmem:s4] =	stream.indirect.scatter.add.f32 [tilespmem:s10], [sflag:$0x3], $0x80, s20, s9, $0xb8;
	[tilespmem:$0x1D000] =	vst v63  }
0xa3: {  	_ =	swait.ge [sflag:s1], $0x2800  }
0xa4: {  	[sflag:s1] =	ssyncset.done $0x0  }
0xa5: {  	s21 =	simm.s32 $0x100;
	[sflag:s1] =	ssyncadd.s32 $0xFFFFD800  }
0xa6: {  	[tilespmem:s10], [sflag:$0x1] =	stream.indirect.gather [hbm4b:s0+s9], $0x80, s21, s9, $0xb8;
	[tilespmem:$0x1D000] =	vst v63  }
0xa7: {  	_ =	swait.ge [sflag:s12], $0x2800  }
0xa8: {  	[sflag:s12] =	ssyncset.done $0x0  }
0xa9: {  	s22 =	simm.s32 $0x1880;
	[sflag:s12] =	ssyncadd.s32 $0xFFFFD800  }
0xaa: {  	[spmem:s4] =	stream.indirect.scatter.add.f32 [tilespmem:s11], [sflag:$0x3], $0x80, s22, s9, $0xb8;
	[tilespmem:$0x1D000] =	vst v63  }
0xab: {  	_ =	swait.ge [sflag:s1], $0x2800  }
0xac: {  	s18 =	simm.s32 $0x100;
	s19 =	simm.s32 $0x800;
	[sflag:s1] =	ssyncset.done $0x0  }
.LBB2_5:
0xad: {  	s20 =	sadd.s32 $0x80, s18  }
0xae: {  	[sflag:s1] =	ssyncadd.s32 $0xFFFFD800;
	s21 =	smov.u32 s19;
	s22 =	sadd.s32 $0x400, s19  }
0xaf: {  	[tilespmem:s11], [sflag:$0x2] =	stream.indirect.gather [hbm4b:s0+s9], $0x80, s20, s9, $0xb8;
	[tilespmem:$0x1D000] =	vst v63  }
0xb0: {  	p0 =	sne.s32 s19, $0x4C00;
	_ =	swait.ge [sflag:s3], $0x2800  }
0xb1: {  	[sflag:s3] =	ssyncset.done $0x0  }
0xb2: {  	s19 =	sadd.s32 $0x1800, s18;
	[sflag:s3] =	ssyncadd.s32 $0xFFFFD800  }
0xb3: {  	[spmem:s4] =	stream.indirect.scatter.add.f32 [tilespmem:s10], [sflag:$0x3], $0x80, s19, s9, $0xb8;
	[tilespmem:$0x1D000] =	vst v63  }
0xb4: {  	_ =	swait.ge [sflag:s1], $0x2800  }
0xb5: {  	[sflag:s1] =	ssyncset.done $0x0  }
0xb6: {  	s19 =	sadd.s32 $0x100, s18;
	[sflag:s1] =	ssyncadd.s32 $0xFFFFD800  }
0xb7: {  	[tilespmem:s10], [sflag:$0x1] =	stream.indirect.gather [hbm4b:s0+s9], $0x80, s19, s9, $0xb8;
	[tilespmem:$0x1D000] =	vst v63  }
0xb8: {  	_ =	swait.ge [sflag:s12], $0x2800  }
.Ltmp1:
0xb9: {  	[sflag:s12] =	ssyncset.done $0x0;
	(pc) =	sbr.rel @p0 .LBB2_5-.Ltmp1, $4  }
0xba: {  	s18 =	sadd.s32 $0x1880, s18;
	[sflag:s12] =	ssyncadd.s32 $0xFFFFD800  }
0xbb: {  	[spmem:s4] =	stream.indirect.scatter.add.f32 [tilespmem:s11], [sflag:$0x3], $0x80, s18, s9, $0xb8;
	[tilespmem:$0x1D000] =	vst v63  }
0xbc: {  	_ =	swait.ge [sflag:s1], $0x2800  }
0xbd: {  	s19 =	smov.u32 s22;
	s18 =	sshra.s32 s21, $0x2;
	[sflag:s1] =	ssyncset.done $0x0  }
0xbe: {  	s19 =	sadd.s32 $0x80, s18;
	[sflag:s1] =	ssyncadd.s32 $0xFFFFD800  }
0xbf: {  	[tilespmem:s11], [sflag:$0x2] =	stream.indirect.gather [hbm4b:s0+s9], $0x80, s19, s9, $0xb8;
	[tilespmem:$0x1D000] =	vst v63  }
0xc0: {  	_ =	swait.ge [sflag:s3], $0x2800  }
0xc1: {  	[sflag:s3] =	ssyncset.done $0x0  }
0xc2: {  	s20 =	sadd.s32 $0x1800, s18;
	[sflag:s3] =	ssyncadd.s32 $0xFFFFD800  }
0xc3: {  	[spmem:s4] =	stream.indirect.scatter.add.f32 [tilespmem:s10], [sflag:$0x3], $0x80, s20, s9, $0xb8;
	[tilespmem:$0x1D000] =	vst v63  }
0xc4: {  	_ =	swait.ge [sflag:s1], $0x2800  }
0xc5: {  	[sflag:s1] =	ssyncset.done $0x0  }
0xc6: {  	s21 =	sadd.s32 $0x100, s18;
	[sflag:s1] =	ssyncadd.s32 $0xFFFFD800  }
0xc7: {  	[tilespmem:s10], [sflag:$0x1] =	stream.indirect.gather [hbm4b:s0+s9], $0x80, s21, s9, $0xb8;
	[tilespmem:$0x1D000] =	vst v63  }
0xc8: {  	_ =	swait.ge [sflag:s12], $0x2800  }
0xc9: {  	[sflag:s12] =	ssyncset.done $0x0  }
0xca: {  	s22 =	sadd.s32 $0x1880, s18;
	[sflag:s12] =	ssyncadd.s32 $0xFFFFD800  }
0xcb: {  	[spmem:s4] =	stream.indirect.scatter.add.f32 [tilespmem:s11], [sflag:$0x3], $0x80, s22, s9, $0xb8;
	[tilespmem:$0x1D000] =	vst v63  }
0xcc: {  	_ =	swait.ge [sflag:s1], $0x2800  }
0xcd: {  	[sflag:s1] =	ssyncset.done $0x0  }
0xce: {  	[sflag:s1] =	ssyncadd.s32 $0xFFFFD800  }
0xcf: {  	[tilespmem:s11], [sflag:$0x2] =	stream.indirect.gather [hbm4b:s0+s9], $0x80, s13, s9, $0xb8;
	[tilespmem:$0x1D000] =	vst v63  }
0xd0: {  	_ =	swait.ge [sflag:s3], $0x2800  }
0xd1: {  	[sflag:s3] =	ssyncset.done $0x0  }
0xd2: {  	[sflag:s3] =	ssyncadd.s32 $0xFFFFD800  }
0xd3: {  	[spmem:s4] =	stream.indirect.scatter.add.f32 [tilespmem:s10], [sflag:$0x3], $0x80, s14, s9, $0xb8;
	[tilespmem:$0x1D000] =	vst v63  }
0xd4: {  	_ =	swait.ge [sflag:s1], $0x2800  }
0xd5: {  	[sflag:s1] =	ssyncset.done $0x0  }
0xd6: {  	[sflag:s1] =	ssyncadd.s32 $0xFFFFD800  }
0xd7: {  	s17 =	sadd.s32 $0x1, s17;
	_ =	swait.ge [sflag:s12], $0x2800  }
0xd8: {  	p0 =	sne.s32 s17, $0x3;
	[sflag:s12] =	ssyncset.done $0x0  }
.Ltmp2:
0xd9: {  	[sflag:s12] =	ssyncadd.s32 $0xFFFFD800;
	(pc) =	sbr.rel @p0 .LBB2_4-.Ltmp2, $4  }
0xda: {  	[spmem:s4] =	stream.indirect.scatter.add.f32 [tilespmem:s11], [sflag:$0x3], $0x80, s15, s9, $0xb8;
	[tilespmem:$0x1D000] =	vst v63  }
0xdb: {  	_ =	swait.ge [sflag:s1], $0x2800  }
0xdc: {  	[sflag:s1] =	ssyncset.done $0x0  }
0xdd: {  	[sflag:s1] =	ssyncadd.s32 $0xFFFFD800  }
0xde: {  	s16 =	stileid.u32;
	s5 =	sadd.s32 $0x1, s5  }
0xdf: {  	[bflag:$0x0] =	sbarrier.arrive $0xFFFF;
	s16 =	sshll.u32 s16, $0x6;
	p0 =	sne.s32 s5, s25  }
.Ltmp3:
0xe0: {  	s17 =	sshrl.u32 s7, $0x3;
	s16 =	sor.u32 $0x1C03, s16;
	(pc) =	sbr.rel @p0 .LBB2_1-.Ltmp3, $4  }
0xe1: {  	[hbm:s24], [sflag:s16] =	dma.local [spmem:s17], $0x2800  }
0xe2: {  	_ =	swait.ge [sflag:s1], $0x2800  }
0xe3: {  	[sflag:s1] =	ssyncset.done $0x0  }
0xe4: {  	[sflag:s1] =	ssyncadd.s32 $0xFFFFD800  }
0xe5: {  	_ =	sfence.sel $0x180000  }
0xe6: {  	[bflag:$0x0] =	sbarrier.arrive $0xFFFF  }
0xe7: {  	_ =	strace $0x90000047  }
0xe8: {  	s0 =	stileid.u32;
	[bflag:$0x2] =	sbarrier.arrive $0xFFFF  }
0xe9: {  	p0 =	sne.s32 s0, $0x0;
	s0 =	rddreg [dreg:$0x4]  }
0xea: {  	s0 =	sadd.s32 @!p0 $0x100000, s0  }
0xeb: {  	[sflag:s0] =	ssyncadd.tile.s32 @!p0 $0x1;
	_ =	shalt  }
.Lfunc_end2:
_tile_overlayer_lowered:
.L_overlay_start_2:
0xec: {  	(tag) =	ssettag $0x2  }
0xed: {  	s0 =	rddreg [dreg:$0x0];
	s2 =	stileid.u32  }
0xee: {  	s1 =	rddreg [dreg:$0x1];
	p0 =	sne.s32 s2, $0x0  }
0xef: {  	s3 =	rddreg [dreg:$0x2];
	[bflag:$0x3] =	sbarrier.arrive $0xFFFF;
	s2 =	simm.s32 @!p0 $0x1C03  }
0xf0: {  	[timem:s3], [sflag:s2] =	dma.local @!p0 [hbm:s0], s1  }
0xf1: {  	s0 =	simm.s32 @!p0 $0x3  }
0xf2: {  	_ =	swait.ge @!p0 [sflag:s0], s1  }
0xf3: {  	s1 =	ssub.s32 @!p0 $0x0, s1;
	[sflag:s0] =	ssyncset.done @!p0 $0x0  }
0xf4: {  	[sflag:s0] =	ssyncadd.s32 @!p0 s1  }
0xf5: {  	[bflag:$0x3] =	sbarrier.arrive $0xFFFF  }
0xf6: {  	_ =	shalt  }

</sc_bundles>
